<compile_context>
chip_gen: v7x
topology: tpu7x:2x2x1
jax: 0.10.2.dev20260603
libtpu: 0.0.44.dev20260713+nightly
codegen_flags: <defaults>
</compile_context>

<pallas_src>
import functools

import jax
import jax.numpy as jnp
from jax import lax
from jax.experimental import pallas as pl
from jax.experimental.pallas import tpu as pltpu
from jax.experimental.pallas import tpu_sc as plsc

BATCH = 4096
EMBED = 32

_NC = 2
_NS = 16
_NW = _NC * _NS
_BPW = BATCH // _NW


def _gather_body(uid_hbm, mid_hbm, utab_hbm, mtab_hbm, uout_hbm, mout_hbm,
                 uidx_v, midx_v, urows_v, mrows_v, usem, msem):
    wid = lax.axis_index("s") * _NC + lax.axis_index("c")
    base = wid * _BPW
    pltpu.sync_copy(uid_hbm.at[pl.ds(base, _BPW)], uidx_v.at[pl.ds(0, _BPW)])
    pltpu.sync_copy(mid_hbm.at[pl.ds(base, _BPW)], midx_v.at[pl.ds(0, _BPW)])

    def issue(c, _):
        base16 = c * 16
        uvec = uidx_v[pl.ds(base16, 16)]
        mvec = midx_v[pl.ds(base16, 16)]
        for k in range(16):
            pltpu.async_copy(utab_hbm.at[pl.ds(uvec[k], 1)],
                             urows_v.at[pl.ds(base16 + k, 1)], usem)
            pltpu.async_copy(mtab_hbm.at[pl.ds(mvec[k], 1)],
                             mrows_v.at[pl.ds(base16 + k, 1)], msem)
        return _

    lax.fori_loop(0, _BPW // 16, issue, 0)
    pltpu.make_async_copy(utab_hbm.at[pl.ds(0, _BPW)], urows_v, usem).wait()
    pltpu.sync_copy(urows_v, uout_hbm.at[pl.ds(base, _BPW)])
    pltpu.make_async_copy(mtab_hbm.at[pl.ds(0, _BPW)], mrows_v, msem).wait()
    pltpu.sync_copy(mrows_v, mout_hbm.at[pl.ds(base, _BPW)])


@functools.cache
def _gather_call():
    return functools.partial(
        pl.kernel,
        mesh=plsc.VectorSubcoreMesh(core_axis_name="c", subcore_axis_name="s"),
        out_type=[
            jax.ShapeDtypeStruct((BATCH, EMBED), jnp.float32),
            jax.ShapeDtypeStruct((BATCH, EMBED), jnp.float32),
        ],
        scratch_types=[
            pltpu.VMEM((_BPW + 16,), jnp.int32),
            pltpu.VMEM((_BPW + 16,), jnp.int32),
            pltpu.VMEM((_BPW, EMBED), jnp.float32),
            pltpu.VMEM((_BPW, EMBED), jnp.float32),
            pltpu.SemaphoreType.DMA,
            pltpu.SemaphoreType.DMA,
        ],
    )(_gather_body)


_BLK = 1024


def _loss_body(u_ref, m_ref, mblk_ref, out_ref):
    i = pl.program_id(0)
    u = u_ref[...]
    m = m_ref[...]
    logits = lax.dot_general(
        u.astype(jnp.bfloat16), m.astype(jnp.bfloat16),
        (((1,), (1,)), ((), ())),
        preferred_element_type=jnp.float32)
    s = jnp.sum(jnp.exp(logits), axis=1, keepdims=True)
    lse = jnp.log(s)
    diag = jnp.sum(u * mblk_ref[...], axis=1, keepdims=True)
    part = jnp.sum(lse - diag)

    @pl.when(i == 0)
    def _init():
        out_ref[0, 0] = 0.0

    out_ref[0, 0] += part

    @pl.when(i == BATCH // _BLK - 1)
    def _finish():
        out_ref[0, 0] = out_ref[0, 0] * (1.0 / BATCH)


_loss_call = pl.pallas_call(
    _loss_body,
    grid=(BATCH // _BLK,),
    in_specs=[
        pl.BlockSpec((_BLK, EMBED), lambda i: (i, 0)),
        pl.BlockSpec((BATCH, EMBED), lambda i: (0, 0)),
        pl.BlockSpec((_BLK, EMBED), lambda i: (i, 0)),
    ],
    out_specs=pl.BlockSpec(memory_space=pltpu.SMEM),
    out_shape=jax.ShapeDtypeStruct((1, 1), jnp.float32),
)


def kernel(user_id, movie_title, user_table, movie_table):
    u, m = _gather_call()(user_id, movie_title, user_table, movie_table)
    acc = _loss_call(u, m, m)
    return acc[0, 0]

# --- scband reference (transcript-rebuilt; emitter-appended) ---
"""Pipeline reference for scband-no-base-class-movielens-model-12524124635307 (READ-ONLY COPY).

The authoritative reference and input builder live on the scoring server;
editing this copy changes nothing except your own understanding.
"""

import jax, jax.numpy as jnp
import numpy as np

BATCH = 4096
NUM_USERS = 100000
NUM_MOVIES = 100000
EMBED_DIM = 32

def setup_inputs(seed: int = 0) -> dict:
    key = jax.random.key(seed)
    k1, k2, k3, k4 = jax.random.split(key, 4)
    user_id = jax.random.randint(k1, (BATCH,), 0, NUM_USERS, dtype=jnp.int64 if jax.config.jax_enable_x64 else jnp.int32)
    movie_title = jax.random.randint(k2, (BATCH,), 0, NUM_MOVIES, dtype=jnp.int64 if jax.config.jax_enable_x64 else jnp.int32)
    # StringLookup reserves index 0..vocab for OOV -> table has vocab+1 rows
    user_table = jax.random.normal(k3, (NUM_USERS + 1, EMBED_DIM), dtype=jnp.float32) * 0.05
    movie_table = jax.random.normal(k4, (NUM_MOVIES + 1, EMBED_DIM), dtype=jnp.float32) * 0.05
    return {"user_id": user_id, "movie_title": movie_title, "user_table": user_table, "movie_table": movie_table}

def reference(user_id, movie_title, user_table, movie_table):
    # Embedding lookups (the two towers)
    user_embeddings = jnp.take(user_table, user_id, axis=0)          # [B, D]
    positive_movie_embeddings = jnp.take(movie_table, movie_title, axis=0)  # [B, D]
    # tfrs.tasks.Retrieval: in-batch sampled softmax. logits[i, j] = <u_i, m_j>;
    # positive label for row i is column i; loss = mean categorical crossentropy.
    logits = user_embeddings @ positive_movie_embeddings.T           # [B, B]
    log_probs = jax.nn.log_softmax(logits, axis=-1)
    batch = user_embeddings.shape[0]
    labels = jnp.arange(batch)
    loss = -jnp.mean(log_probs[jnp.arange(batch), labels])
    return loss

if __name__ == "__main__":
    import jax
    _d = setup_inputs()
    print(jax.jit(kernel)(*tuple(_d.values())))

</pallas_src>

<mosaic_0001>
#map = affine_map<(d0, d1) -> (0)>
#map1 = affine_map<(d0, d1) -> (0, 0)>
module attributes {stable_mosaic.version = 14 : i64} {
  func.func @_gather_body(%arg0: i32, %arg1: i32, %arg2: memref<4096xi32, #tpu.memory_space<hbm>>, %arg3: memref<4096xi32, #tpu.memory_space<hbm>>, %arg4: memref<100001x32xf32, #tpu.memory_space<hbm>>, %arg5: memref<100001x32xf32, #tpu.memory_space<hbm>>, %arg6: memref<4096x32xf32, #tpu.memory_space<hbm>>, %arg7: memref<4096x32xf32, #tpu.memory_space<hbm>>, %arg8: memref<144xi32, #tpu.memory_space<vmem>>, %arg9: memref<144xi32, #tpu.memory_space<vmem>>, %arg10: memref<128x32xf32, #tpu.memory_space<vmem>>, %arg11: memref<128x32xf32, #tpu.memory_space<vmem>>, %arg12: memref<!tpu.dma_semaphore, #tpu.memory_space<semaphore_mem>>, %arg13: memref<!tpu.dma_semaphore, #tpu.memory_space<semaphore_mem>>) attributes {dimension_semantics = [#tpu.dimension_semantics<core_parallel>, #tpu.dimension_semantics<subcore_parallel>], iteration_bounds = array<i64: 2, 16>, scalar_prefetch = 0 : i64, scratch_operands = 6 : i64, tpu.core_type = #tpu.core_type<sc_vector_subcore>, window_params = [{transform_indices = #map}, {transform_indices = #map}, {transform_indices = #map1}, {transform_indices = #map1}, {transform_indices = #map1}, {transform_indices = #map1}]} {
    %mul3A = arith.constant 2 : i32
    %mul3A_0 = arith.muli %arg1, %mul3A : i32
    %add3A = arith.addi %mul3A_0, %arg0 : i32
    %mul3A_1 = arith.constant 128 : i32
    %mul3A_2 = arith.muli %add3A, %mul3A_1 : i32
    "tpu.region"() ({
      %run_scoped3A = tpu.sem_alloc : memref<!tpu.dma_semaphore, #tpu.memory_space<semaphore_mem>>
      %dma_start3A = arith.constant 0 : i32
      %dma_start3A_19 = tpu.memref_slice %arg8[%dma_start3A] : memref<144xi32, #tpu.memory_space<vmem>> -> memref<128xi32, #tpu.memory_space<vmem>>
      %dma_start3A_20 = tpu.memref_slice %arg2[%mul3A_2] : memref<4096xi32, #tpu.memory_space<hbm>> -> memref<128xi32, #tpu.memory_space<hbm>>
      %dma_start3A_21 = arith.constant 0 : i32
      %dma_start3A_22 = tpu.memref_slice %arg8[%dma_start3A_21] : memref<144xi32, #tpu.memory_space<vmem>> -> memref<128xi32, #tpu.memory_space<vmem>>
      %dma_start3A_23 = tpu.memref_slice %arg2[%mul3A_2] : memref<4096xi32, #tpu.memory_space<hbm>> -> memref<128xi32, #tpu.memory_space<hbm>>
      tpu.enqueue_dma source(%dma_start3A_23 : memref<128xi32, #tpu.memory_space<hbm>>) target(%dma_start3A_22 : memref<128xi32, #tpu.memory_space<vmem>>) target_semaphore(%run_scoped3A : memref<!tpu.dma_semaphore, #tpu.memory_space<semaphore_mem>>)
      %dma_wait3A_24 = arith.constant 0 : i32
      %dma_wait3A_25 = tpu.memref_slice %arg8[%dma_wait3A_24] : memref<144xi32, #tpu.memory_space<vmem>> -> memref<128xi32, #tpu.memory_space<vmem>>
      %dma_wait3A_26 = tpu.memref_slice %arg2[%mul3A_2] : memref<4096xi32, #tpu.memory_space<hbm>> -> memref<128xi32, #tpu.memory_space<hbm>>
      %dma_wait3A_27 = arith.constant 0 : i32
      %dma_wait3A_28 = tpu.memref_slice %arg8[%dma_wait3A_27] : memref<144xi32, #tpu.memory_space<vmem>> -> memref<128xi32, #tpu.memory_space<vmem>>
      %dma_wait3A_29 = tpu.memref_slice %arg2[%mul3A_2] : memref<4096xi32, #tpu.memory_space<hbm>> -> memref<128xi32, #tpu.memory_space<hbm>>
      tpu.wait_dma2 semaphore(%run_scoped3A : memref<!tpu.dma_semaphore, #tpu.memory_space<semaphore_mem>>) src(%dma_wait3A_29 : memref<128xi32, #tpu.memory_space<hbm>>) dst(%dma_wait3A_28 : memref<128xi32, #tpu.memory_space<vmem>>)
      tpu.yield
    }) : () -> ()
    "tpu.region"() ({
      %run_scoped3A = tpu.sem_alloc : memref<!tpu.dma_semaphore, #tpu.memory_space<semaphore_mem>>
      %dma_start3A = arith.constant 0 : i32
      %dma_start3A_19 = tpu.memref_slice %arg9[%dma_start3A] : memref<144xi32, #tpu.memory_space<vmem>> -> memref<128xi32, #tpu.memory_space<vmem>>
      %dma_start3A_20 = tpu.memref_slice %arg3[%mul3A_2] : memref<4096xi32, #tpu.memory_space<hbm>> -> memref<128xi32, #tpu.memory_space<hbm>>
      %dma_start3A_21 = arith.constant 0 : i32
      %dma_start3A_22 = tpu.memref_slice %arg9[%dma_start3A_21] : memref<144xi32, #tpu.memory_space<vmem>> -> memref<128xi32, #tpu.memory_space<vmem>>
      %dma_start3A_23 = tpu.memref_slice %arg3[%mul3A_2] : memref<4096xi32, #tpu.memory_space<hbm>> -> memref<128xi32, #tpu.memory_space<hbm>>
      tpu.enqueue_dma source(%dma_start3A_23 : memref<128xi32, #tpu.memory_space<hbm>>) target(%dma_start3A_22 : memref<128xi32, #tpu.memory_space<vmem>>) target_semaphore(%run_scoped3A : memref<!tpu.dma_semaphore, #tpu.memory_space<semaphore_mem>>)
      %dma_wait3A_24 = arith.constant 0 : i32
      %dma_wait3A_25 = tpu.memref_slice %arg9[%dma_wait3A_24] : memref<144xi32, #tpu.memory_space<vmem>> -> memref<128xi32, #tpu.memory_space<vmem>>
      %dma_wait3A_26 = tpu.memref_slice %arg3[%mul3A_2] : memref<4096xi32, #tpu.memory_space<hbm>> -> memref<128xi32, #tpu.memory_space<hbm>>
      %dma_wait3A_27 = arith.constant 0 : i32
      %dma_wait3A_28 = tpu.memref_slice %arg9[%dma_wait3A_27] : memref<144xi32, #tpu.memory_space<vmem>> -> memref<128xi32, #tpu.memory_space<vmem>>
      %dma_wait3A_29 = tpu.memref_slice %arg3[%mul3A_2] : memref<4096xi32, #tpu.memory_space<hbm>> -> memref<128xi32, #tpu.memory_space<hbm>>
      tpu.wait_dma2 semaphore(%run_scoped3A : memref<!tpu.dma_semaphore, #tpu.memory_space<semaphore_mem>>) src(%dma_wait3A_29 : memref<128xi32, #tpu.memory_space<hbm>>) dst(%dma_wait3A_28 : memref<128xi32, #tpu.memory_space<vmem>>)
      tpu.yield
    }) : () -> ()
    %scan3A = arith.constant 0 : i32
    %scan3A_3 = arith.constant 0 : i32
    %scan3A_4 = arith.constant 8 : i32
    %scan3A_5 = arith.addi %scan3A_3, %scan3A_4 : i32
    %scan3A_6 = arith.constant 1 : i32
    scf.for %scan3A_19 = %scan3A_3 to %scan3A_5 step %scan3A_6  : i32 {
      %mul3A_20 = arith.constant 16 : i32
      %mul3A_21 = arith.muli %scan3A_19, %mul3A_20 : i32
      %get3A = arith.index_cast %mul3A_21 : i32 to index
      %get3A_22 = tpu.vector_load %arg8[%get3A] {strides = array<i32>} : memref<144xi32, #tpu.memory_space<vmem>>, vector<16xi32>,
      %get3A_23 = vector.shape_cast %get3A_22 : vector<16xi32> to vector<16xi32>
      %get3A_24 = arith.index_cast %mul3A_21 : i32 to index
      %get3A_25 = tpu.vector_load %arg9[%get3A_24] {strides = array<i32>} : memref<144xi32, #tpu.memory_space<vmem>>, vector<16xi32>,
      %get3A_26 = vector.shape_cast %get3A_25 : vector<16xi32> to vector<16xi32>
      %slice3A = vector.extract_strided_slice %get3A_23 {offsets = [0], sizes = [1], strides = [1]} : vector<16xi32> to vector<1xi32>
      %squeeze3A = vector.extract %slice3A[0] : i32 from vector<1xi32>
      %add3A_27 = arith.constant 0 : i32
      %add3A_28 = arith.addi %mul3A_21, %add3A_27 : i32
      %dma_start3A = arith.constant 0 : i32
      %dma_start3A_29 = tpu.memref_slice %arg10[%add3A_28, %dma_start3A] : memref<128x32xf32, #tpu.memory_space<vmem>> -> memref<1x32xf32, #tpu.memory_space<vmem>>
      %dma_start3A_30 = arith.constant 0 : i32
      %dma_start3A_31 = tpu.memref_slice %arg4[%squeeze3A, %dma_start3A_30] : memref<100001x32xf32, #tpu.memory_space<hbm>> -> memref<1x32xf32, #tpu.memory_space<hbm>>
      %dma_start3A_32 = arith.constant 0 : i32
      %dma_start3A_33 = tpu.memref_slice %arg10[%add3A_28, %dma_start3A_32] : memref<128x32xf32, #tpu.memory_space<vmem>> -> memref<1x32xf32, #tpu.memory_space<vmem>>
      %dma_start3A_34 = arith.constant 0 : i32
      %dma_start3A_35 = tpu.memref_slice %arg4[%squeeze3A, %dma_start3A_34] : memref<100001x32xf32, #tpu.memory_space<hbm>> -> memref<1x32xf32, #tpu.memory_space<hbm>>
      tpu.enqueue_dma source(%dma_start3A_35 : memref<1x32xf32, #tpu.memory_space<hbm>>) target(%dma_start3A_33 : memref<1x32xf32, #tpu.memory_space<vmem>>) target_semaphore(%arg12 : memref<!tpu.dma_semaphore, #tpu.memory_space<semaphore_mem>>)
      %slice3A_36 = vector.extract_strided_slice %get3A_26 {offsets = [0], sizes = [1], strides = [1]} : vector<16xi32> to vector<1xi32>
      %squeeze3A_37 = vector.extract %slice3A_36[0] : i32 from vector<1xi32>
      %add3A_38 = arith.constant 0 : i32
      %add3A_39 = arith.addi %mul3A_21, %add3A_38 : i32
      %dma_start3A_40 = arith.constant 0 : i32
      %dma_start3A_41 = tpu.memref_slice %arg11[%add3A_39, %dma_start3A_40] : memref<128x32xf32, #tpu.memory_space<vmem>> -> memref<1x32xf32, #tpu.memory_space<vmem>>
      %dma_start3A_42 = arith.constant 0 : i32
      %dma_start3A_43 = tpu.memref_slice %arg5[%squeeze3A_37, %dma_start3A_42] : memref<100001x32xf32, #tpu.memory_space<hbm>> -> memref<1x32xf32, #tpu.memory_space<hbm>>
      %dma_start3A_44 = arith.constant 0 : i32
      %dma_start3A_45 = tpu.memref_slice %arg11[%add3A_39, %dma_start3A_44] : memref<128x32xf32, #tpu.memory_space<vmem>> -> memref<1x32xf32, #tpu.memory_space<vmem>>
      %dma_start3A_46 = arith.constant 0 : i32
      %dma_start3A_47 = tpu.memref_slice %arg5[%squeeze3A_37, %dma_start3A_46] : memref<100001x32xf32, #tpu.memory_space<hbm>> -> memref<1x32xf32, #tpu.memory_space<hbm>>
      tpu.enqueue_dma source(%dma_start3A_47 : memref<1x32xf32, #tpu.memory_space<hbm>>) target(%dma_start3A_45 : memref<1x32xf32, #tpu.memory_space<vmem>>) target_semaphore(%arg13 : memref<!tpu.dma_semaphore, #tpu.memory_space<semaphore_mem>>)
      %slice3A_48 = vector.extract_strided_slice %get3A_23 {offsets = [1], sizes = [1], strides = [1]} : vector<16xi32> to vector<1xi32>
      %squeeze3A_49 = vector.extract %slice3A_48[0] : i32 from vector<1xi32>
      %add3A_50 = arith.constant 1 : i32
      %add3A_51 = arith.addi %mul3A_21, %add3A_50 : i32
      %dma_start3A_52 = arith.constant 0 : i32
      %dma_start3A_53 = tpu.memref_slice %arg10[%add3A_51, %dma_start3A_52] : memref<128x32xf32, #tpu.memory_space<vmem>> -> memref<1x32xf32, #tpu.memory_space<vmem>>
      %dma_start3A_54 = arith.constant 0 : i32
      %dma_start3A_55 = tpu.memref_slice %arg4[%squeeze3A_49, %dma_start3A_54] : memref<100001x32xf32, #tpu.memory_space<hbm>> -> memref<1x32xf32, #tpu.memory_space<hbm>>
      %dma_start3A_56 = arith.constant 0 : i32
      %dma_start3A_57 = tpu.memref_slice %arg10[%add3A_51, %dma_start3A_56] : memref<128x32xf32, #tpu.memory_space<vmem>> -> memref<1x32xf32, #tpu.memory_space<vmem>>
      %dma_start3A_58 = arith.constant 0 : i32
      %dma_start3A_59 = tpu.memref_slice %arg4[%squeeze3A_49, %dma_start3A_58] : memref<100001x32xf32, #tpu.memory_space<hbm>> -> memref<1x32xf32, #tpu.memory_space<hbm>>
      tpu.enqueue_dma source(%dma_start3A_59 : memref<1x32xf32, #tpu.memory_space<hbm>>) target(%dma_start3A_57 : memref<1x32xf32, #tpu.memory_space<vmem>>) target_semaphore(%arg12 : memref<!tpu.dma_semaphore, #tpu.memory_space<semaphore_mem>>)
      %slice3A_60 = vector.extract_strided_slice %get3A_26 {offsets = [1], sizes = [1], strides = [1]} : vector<16xi32> to vector<1xi32>
      %squeeze3A_61 = vector.extract %slice3A_60[0] : i32 from vector<1xi32>
      %add3A_62 = arith.constant 1 : i32
      %add3A_63 = arith.addi %mul3A_21, %add3A_62 : i32
      %dma_start3A_64 = arith.constant 0 : i32
      %dma_start3A_65 = tpu.memref_slice %arg11[%add3A_63, %dma_start3A_64] : memref<128x32xf32, #tpu.memory_space<vmem>> -> memref<1x32xf32, #tpu.memory_space<vmem>>
      %dma_start3A_66 = arith.constant 0 : i32
      %dma_start3A_67 = tpu.memref_slice %arg5[%squeeze3A_61, %dma_start3A_66] : memref<100001x32xf32, #tpu.memory_space<hbm>> -> memref<1x32xf32, #tpu.memory_space<hbm>>
      %dma_start3A_68 = arith.constant 0 : i32
      %dma_start3A_69 = tpu.memref_slice %arg11[%add3A_63, %dma_start3A_68] : memref<128x32xf32, #tpu.memory_space<vmem>> -> memref<1x32xf32, #tpu.memory_space<vmem>>
      %dma_start3A_70 = arith.constant 0 : i32
      %dma_start3A_71 = tpu.memref_slice %arg5[%squeeze3A_61, %dma_start3A_70] : memref<100001x32xf32, #tpu.memory_space<hbm>> -> memref<1x32xf32, #tpu.memory_space<hbm>>
      tpu.enqueue_dma source(%dma_start3A_71 : memref<1x32xf32, #tpu.memory_space<hbm>>) target(%dma_start3A_69 : memref<1x32xf32, #tpu.memory_space<vmem>>) target_semaphore(%arg13 : memref<!tpu.dma_semaphore, #tpu.memory_space<semaphore_mem>>)
      %slice3A_72 = vector.extract_strided_slice %get3A_23 {offsets = [2], sizes = [1], strides = [1]} : vector<16xi32> to vector<1xi32>
      %squeeze3A_73 = vector.extract %slice3A_72[0] : i32 from vector<1xi32>
      %add3A_74 = arith.constant 2 : i32
      %add3A_75 = arith.addi %mul3A_21, %add3A_74 : i32
      %dma_start3A_76 = arith.constant 0 : i32
      %dma_start3A_77 = tpu.memref_slice %arg10[%add3A_75, %dma_start3A_76] : memref<128x32xf32, #tpu.memory_space<vmem>> -> memref<1x32xf32, #tpu.memory_space<vmem>>
      %dma_start3A_78 = arith.constant 0 : i32
      %dma_start3A_79 = tpu.memref_slice %arg4[%squeeze3A_73, %dma_start3A_78] : memref<100001x32xf32, #tpu.memory_space<hbm>> -> memref<1x32xf32, #tpu.memory_space<hbm>>
      %dma_start3A_80 = arith.constant 0 : i32
      %dma_start3A_81 = tpu.memref_slice %arg10[%add3A_75, %dma_start3A_80] : memref<128x32xf32, #tpu.memory_space<vmem>> -> memref<1x32xf32, #tpu.memory_space<vmem>>
      %dma_start3A_82 = arith.constant 0 : i32
      %dma_start3A_83 = tpu.memref_slice %arg4[%squeeze3A_73, %dma_start3A_82] : memref<100001x32xf32, #tpu.memory_space<hbm>> -> memref<1x32xf32, #tpu.memory_space<hbm>>
      tpu.enqueue_dma source(%dma_start3A_83 : memref<1x32xf32, #tpu.memory_space<hbm>>) target(%dma_start3A_81 : memref<1x32xf32, #tpu.memory_space<vmem>>) target_semaphore(%arg12 : memref<!tpu.dma_semaphore, #tpu.memory_space<semaphore_mem>>)
      %slice3A_84 = vector.extract_strided_slice %get3A_26 {offsets = [2], sizes = [1], strides = [1]} : vector<16xi32> to vector<1xi32>
      %squeeze3A_85 = vector.extract %slice3A_84[0] : i32 from vector<1xi32>
      %add3A_86 = arith.constant 2 : i32
      %add3A_87 = arith.addi %mul3A_21, %add3A_86 : i32
      %dma_start3A_88 = arith.constant 0 : i32
      %dma_start3A_89 = tpu.memref_slice %arg11[%add3A_87, %dma_start3A_88] : memref<128x32xf32, #tpu.memory_space<vmem>> -> memref<1x32xf32, #tpu.memory_space<vmem>>
      %dma_start3A_90 = arith.constant 0 : i32
      %dma_start3A_91 = tpu.memref_slice %arg5[%squeeze3A_85, %dma_start3A_90] : memref<100001x32xf32, #tpu.memory_space<hbm>> -> memref<1x32xf32, #tpu.memory_space<hbm>>
      %dma_start3A_92 = arith.constant 0 : i32
      %dma_start3A_93 = tpu.memref_slice %arg11[%add3A_87, %dma_start3A_92] : memref<128x32xf32, #tpu.memory_space<vmem>> -> memref<1x32xf32, #tpu.memory_space<vmem>>
      %dma_start3A_94 = arith.constant 0 : i32
      %dma_start3A_95 = tpu.memref_slice %arg5[%squeeze3A_85, %dma_start3A_94] : memref<100001x32xf32, #tpu.memory_space<hbm>> -> memref<1x32xf32, #tpu.memory_space<hbm>>
      tpu.enqueue_dma source(%dma_start3A_95 : memref<1x32xf32, #tpu.memory_space<hbm>>) target(%dma_start3A_93 : memref<1x32xf32, #tpu.memory_space<vmem>>) target_semaphore(%arg13 : memref<!tpu.dma_semaphore, #tpu.memory_space<semaphore_mem>>)
      %slice3A_96 = vector.extract_strided_slice %get3A_23 {offsets = [3], sizes = [1], strides = [1]} : vector<16xi32> to vector<1xi32>
      %squeeze3A_97 = vector.extract %slice3A_96[0] : i32 from vector<1xi32>
      %add3A_98 = arith.constant 3 : i32
      %add3A_99 = arith.addi %mul3A_21, %add3A_98 : i32
      %dma_start3A_100 = arith.constant 0 : i32
      %dma_start3A_101 = tpu.memref_slice %arg10[%add3A_99, %dma_start3A_100] : memref<128x32xf32, #tpu.memory_space<vmem>> -> memref<1x32xf32, #tpu.memory_space<vmem>>
      %dma_start3A_102 = arith.constant 0 : i32
      %dma_start3A_103 = tpu.memref_slice %arg4[%squeeze3A_97, %dma_start3A_102] : memref<100001x32xf32, #tpu.memory_space<hbm>> -> memref<1x32xf32, #tpu.memory_space<hbm>>
      %dma_start3A_104 = arith.constant 0 : i32
      %dma_start3A_105 = tpu.memref_slice %arg10[%add3A_99, %dma_start3A_104] : memref<128x32xf32, #tpu.memory_space<vmem>> -> memref<1x32xf32, #tpu.memory_space<vmem>>
      %dma_start3A_106 = arith.constant 0 : i32
      %dma_start3A_107 = tpu.memref_slice %arg4[%squeeze3A_97, %dma_start3A_106] : memref<100001x32xf32, #tpu.memory_space<hbm>> -> memref<1x32xf32, #tpu.memory_space<hbm>>
      tpu.enqueue_dma source(%dma_start3A_107 : memref<1x32xf32, #tpu.memory_space<hbm>>) target(%dma_start3A_105 : memref<1x32xf32, #tpu.memory_space<vmem>>) target_semaphore(%arg12 : memref<!tpu.dma_semaphore, #tpu.memory_space<semaphore_mem>>)
      %slice3A_108 = vector.extract_strided_slice %get3A_26 {offsets = [3], sizes = [1], strides = [1]} : vector<16xi32> to vector<1xi32>
      %squeeze3A_109 = vector.extract %slice3A_108[0] : i32 from vector<1xi32>
      %add3A_110 = arith.constant 3 : i32
      %add3A_111 = arith.addi %mul3A_21, %add3A_110 : i32
      %dma_start3A_112 = arith.constant 0 : i32
      %dma_start3A_113 = tpu.memref_slice %arg11[%add3A_111, %dma_start3A_112] : memref<128x32xf32, #tpu.memory_space<vmem>> -> memref<1x32xf32, #tpu.memory_space<vmem>>
      %dma_start3A_114 = arith.constant 0 : i32
      %dma_start3A_115 = tpu.memref_slice %arg5[%squeeze3A_109, %dma_start3A_114] : memref<100001x32xf32, #tpu.memory_space<hbm>> -> memref<1x32xf32, #tpu.memory_space<hbm>>
      %dma_start3A_116 = arith.constant 0 : i32
      %dma_start3A_117 = tpu.memref_slice %arg11[%add3A_111, %dma_start3A_116] : memref<128x32xf32, #tpu.memory_space<vmem>> -> memref<1x32xf32, #tpu.memory_space<vmem>>
      %dma_start3A_118 = arith.constant 0 : i32
      %dma_start3A_119 = tpu.memref_slice %arg5[%squeeze3A_109, %dma_start3A_118] : memref<100001x32xf32, #tpu.memory_space<hbm>> -> memref<1x32xf32, #tpu.memory_space<hbm>>
      tpu.enqueue_dma source(%dma_start3A_119 : memref<1x32xf32, #tpu.memory_space<hbm>>) target(%dma_start3A_117 : memref<1x32xf32, #tpu.memory_space<vmem>>) target_semaphore(%arg13 : memref<!tpu.dma_semaphore, #tpu.memory_space<semaphore_mem>>)
      %slice3A_120 = vector.extract_strided_slice %get3A_23 {offsets = [4], sizes = [1], strides = [1]} : vector<16xi32> to vector<1xi32>
      %squeeze3A_121 = vector.extract %slice3A_120[0] : i32 from vector<1xi32>
      %add3A_122 = arith.constant 4 : i32
      %add3A_123 = arith.addi %mul3A_21, %add3A_122 : i32
      %dma_start3A_124 = arith.constant 0 : i32
      %dma_start3A_125 = tpu.memref_slice %arg10[%add3A_123, %dma_start3A_124] : memref<128x32xf32, #tpu.memory_space<vmem>> -> memref<1x32xf32, #tpu.memory_space<vmem>>
      %dma_start3A_126 = arith.constant 0 : i32
      %dma_start3A_127 = tpu.memref_slice %arg4[%squeeze3A_121, %dma_start3A_126] : memref<100001x32xf32, #tpu.memory_space<hbm>> -> memref<1x32xf32, #tpu.memory_space<hbm>>
      %dma_start3A_128 = arith.constant 0 : i32
      %dma_start3A_129 = tpu.memref_slice %arg10[%add3A_123, %dma_start3A_128] : memref<128x32xf32, #tpu.memory_space<vmem>> -> memref<1x32xf32, #tpu.memory_space<vmem>>
      %dma_start3A_130 = arith.constant 0 : i32
      %dma_start3A_131 = tpu.memref_slice %arg4[%squeeze3A_121, %dma_start3A_130] : memref<100001x32xf32, #tpu.memory_space<hbm>> -> memref<1x32xf32, #tpu.memory_space<hbm>>
      tpu.enqueue_dma source(%dma_start3A_131 : memref<1x32xf32, #tpu.memory_space<hbm>>) target(%dma_start3A_129 : memref<1x32xf32, #tpu.memory_space<vmem>>) target_semaphore(%arg12 : memref<!tpu.dma_semaphore, #tpu.memory_space<semaphore_mem>>)
      %slice3A_132 = vector.extract_strided_slice %get3A_26 {offsets = [4], sizes = [1], strides = [1]} : vector<16xi32> to vector<1xi32>
      %squeeze3A_133 = vector.extract %slice3A_132[0] : i32 from vector<1xi32>
      %add3A_134 = arith.constant 4 : i32
      %add3A_135 = arith.addi %mul3A_21, %add3A_134 : i32
      %dma_start3A_136 = arith.constant 0 : i32
      %dma_start3A_137 = tpu.memref_slice %arg11[%add3A_135, %dma_start3A_136] : memref<128x32xf32, #tpu.memory_space<vmem>> -> memref<1x32xf32, #tpu.memory_space<vmem>>
      %dma_start3A_138 = arith.constant 0 : i32
      %dma_start3A_139 = tpu.memref_slice %arg5[%squeeze3A_133, %dma_start3A_138] : memref<100001x32xf32, #tpu.memory_space<hbm>> -> memref<1x32xf32, #tpu.memory_space<hbm>>
      %dma_start3A_140 = arith.constant 0 : i32
      %dma_start3A_141 = tpu.memref_slice %arg11[%add3A_135, %dma_start3A_140] : memref<128x32xf32, #tpu.memory_space<vmem>> -> memref<1x32xf32, #tpu.memory_space<vmem>>
      %dma_start3A_142 = arith.constant 0 : i32
      %dma_start3A_143 = tpu.memref_slice %arg5[%squeeze3A_133, %dma_start3A_142] : memref<100001x32xf32, #tpu.memory_space<hbm>> -> memref<1x32xf32, #tpu.memory_space<hbm>>
      tpu.enqueue_dma source(%dma_start3A_143 : memref<1x32xf32, #tpu.memory_space<hbm>>) target(%dma_start3A_141 : memref<1x32xf32, #tpu.memory_space<vmem>>) target_semaphore(%arg13 : memref<!tpu.dma_semaphore, #tpu.memory_space<semaphore_mem>>)
      %slice3A_144 = vector.extract_strided_slice %get3A_23 {offsets = [5], sizes = [1], strides = [1]} : vector<16xi32> to vector<1xi32>
      %squeeze3A_145 = vector.extract %slice3A_144[0] : i32 from vector<1xi32>
      %add3A_146 = arith.constant 5 : i32
      %add3A_147 = arith.addi %mul3A_21, %add3A_146 : i32
      %dma_start3A_148 = arith.constant 0 : i32
      %dma_start3A_149 = tpu.memref_slice %arg10[%add3A_147, %dma_start3A_148] : memref<128x32xf32, #tpu.memory_space<vmem>> -> memref<1x32xf32, #tpu.memory_space<vmem>>
      %dma_start3A_150 = arith.constant 0 : i32
      %dma_start3A_151 = tpu.memref_slice %arg4[%squeeze3A_145, %dma_start3A_150] : memref<100001x32xf32, #tpu.memory_space<hbm>> -> memref<1x32xf32, #tpu.memory_space<hbm>>
      %dma_start3A_152 = arith.constant 0 : i32
      %dma_start3A_153 = tpu.memref_slice %arg10[%add3A_147, %dma_start3A_152] : memref<128x32xf32, #tpu.memory_space<vmem>> -> memref<1x32xf32, #tpu.memory_space<vmem>>
      %dma_start3A_154 = arith.constant 0 : i32
      %dma_start3A_155 = tpu.memref_slice %arg4[%squeeze3A_145, %dma_start3A_154] : memref<100001x32xf32, #tpu.memory_space<hbm>> -> memref<1x32xf32, #tpu.memory_space<hbm>>
      tpu.enqueue_dma source(%dma_start3A_155 : memref<1x32xf32, #tpu.memory_space<hbm>>) target(%dma_start3A_153 : memref<1x32xf32, #tpu.memory_space<vmem>>) target_semaphore(%arg12 : memref<!tpu.dma_semaphore, #tpu.memory_space<semaphore_mem>>)
      %slice3A_156 = vector.extract_strided_slice %get3A_26 {offsets = [5], sizes = [1], strides = [1]} : vector<16xi32> to vector<1xi32>
      %squeeze3A_157 = vector.extract %slice3A_156[0] : i32 from vector<1xi32>
      %add3A_158 = arith.constant 5 : i32
      %add3A_159 = arith.addi %mul3A_21, %add3A_158 : i32
      %dma_start3A_160 = arith.constant 0 : i32
      %dma_start3A_161 = tpu.memref_slice %arg11[%add3A_159, %dma_start3A_160] : memref<128x32xf32, #tpu.memory_space<vmem>> -> memref<1x32xf32, #tpu.memory_space<vmem>>
      %dma_start3A_162 = arith.constant 0 : i32
      %dma_start3A_163 = tpu.memref_slice %arg5[%squeeze3A_157, %dma_start3A_162] : memref<100001x32xf32, #tpu.memory_space<hbm>> -> memref<1x32xf32, #tpu.memory_space<hbm>>
      %dma_start3A_164 = arith.constant 0 : i32
      %dma_start3A_165 = tpu.memref_slice %arg11[%add3A_159, %dma_start3A_164] : memref<128x32xf32, #tpu.memory_space<vmem>> -> memref<1x32xf32, #tpu.memory_space<vmem>>
      %dma_start3A_166 = arith.constant 0 : i32
      %dma_start3A_167 = tpu.memref_slice %arg5[%squeeze3A_157, %dma_start3A_166] : memref<100001x32xf32, #tpu.memory_space<hbm>> -> memref<1x32xf32, #tpu.memory_space<hbm>>
      tpu.enqueue_dma source(%dma_start3A_167 : memref<1x32xf32, #tpu.memory_space<hbm>>) target(%dma_start3A_165 : memref<1x32xf32, #tpu.memory_space<vmem>>) target_semaphore(%arg13 : memref<!tpu.dma_semaphore, #tpu.memory_space<semaphore_mem>>)
      %slice3A_168 = vector.extract_strided_slice %get3A_23 {offsets = [6], sizes = [1], strides = [1]} : vector<16xi32> to vector<1xi32>
      %squeeze3A_169 = vector.extract %slice3A_168[0] : i32 from vector<1xi32>
      %add3A_170 = arith.constant 6 : i32
      %add3A_171 = arith.addi %mul3A_21, %add3A_170 : i32
      %dma_start3A_172 = arith.constant 0 : i32
      %dma_start3A_173 = tpu.memref_slice %arg10[%add3A_171, %dma_start3A_172] : memref<128x32xf32, #tpu.memory_space<vmem>> -> memref<1x32xf32, #tpu.memory_space<vmem>>
      %dma_start3A_174 = arith.constant 0 : i32
      %dma_start3A_175 = tpu.memref_slice %arg4[%squeeze3A_169, %dma_start3A_174] : memref<100001x32xf32, #tpu.memory_space<hbm>> -> memref<1x32xf32, #tpu.memory_space<hbm>>
      %dma_start3A_176 = arith.constant 0 : i32
      %dma_start3A_177 = tpu.memref_slice %arg10[%add3A_171, %dma_start3A_176] : memref<128x32xf32, #tpu.memory_space<vmem>> -> memref<1x32xf32, #tpu.memory_space<vmem>>
      %dma_start3A_178 = arith.constant 0 : i32
      %dma_start3A_179 = tpu.memref_slice %arg4[%squeeze3A_169, %dma_start3A_178] : memref<100001x32xf32, #tpu.memory_space<hbm>> -> memref<1x32xf32, #tpu.memory_space<hbm>>
      tpu.enqueue_dma source(%dma_start3A_179 : memref<1x32xf32, #tpu.memory_space<hbm>>) target(%dma_start3A_177 : memref<1x32xf32, #tpu.memory_space<vmem>>) target_semaphore(%arg12 : memref<!tpu.dma_semaphore, #tpu.memory_space<semaphore_mem>>)
      %slice3A_180 = vector.extract_strided_slice %get3A_26 {offsets = [6], sizes = [1], strides = [1]} : vector<16xi32> to vector<1xi32>
      %squeeze3A_181 = vector.extract %slice3A_180[0] : i32 from vector<1xi32>
      %add3A_182 = arith.constant 6 : i32
      %add3A_183 = arith.addi %mul3A_21, %add3A_182 : i32
      %dma_start3A_184 = arith.constant 0 : i32
      %dma_start3A_185 = tpu.memref_slice %arg11[%add3A_183, %dma_start3A_184] : memref<128x32xf32, #tpu.memory_space<vmem>> -> memref<1x32xf32, #tpu.memory_space<vmem>>
      %dma_start3A_186 = arith.constant 0 : i32
      %dma_start3A_187 = tpu.memref_slice %arg5[%squeeze3A_181, %dma_start3A_186] : memref<100001x32xf32, #tpu.memory_space<hbm>> -> memref<1x32xf32, #tpu.memory_space<hbm>>
      %dma_start3A_188 = arith.constant 0 : i32
      %dma_start3A_189 = tpu.memref_slice %arg11[%add3A_183, %dma_start3A_188] : memref<128x32xf32, #tpu.memory_space<vmem>> -> memref<1x32xf32, #tpu.memory_space<vmem>>
      %dma_start3A_190 = arith.constant 0 : i32
      %dma_start3A_191 = tpu.memref_slice %arg5[%squeeze3A_181, %dma_start3A_190] : memref<100001x32xf32, #tpu.memory_space<hbm>> -> memref<1x32xf32, #tpu.memory_space<hbm>>
      tpu.enqueue_dma source(%dma_start3A_191 : memref<1x32xf32, #tpu.memory_space<hbm>>) target(%dma_start3A_189 : memref<1x32xf32, #tpu.memory_space<vmem>>) target_semaphore(%arg13 : memref<!tpu.dma_semaphore, #tpu.memory_space<semaphore_mem>>)
      %slice3A_192 = vector.extract_strided_slice %get3A_23 {offsets = [7], sizes = [1], strides = [1]} : vector<16xi32> to vector<1xi32>
      %squeeze3A_193 = vector.extract %slice3A_192[0] : i32 from vector<1xi32>
      %add3A_194 = arith.constant 7 : i32
      %add3A_195 = arith.addi %mul3A_21, %add3A_194 : i32
      %dma_start3A_196 = arith.constant 0 : i32
      %dma_start3A_197 = tpu.memref_slice %arg10[%add3A_195, %dma_start3A_196] : memref<128x32xf32, #tpu.memory_space<vmem>> -> memref<1x32xf32, #tpu.memory_space<vmem>>
      %dma_start3A_198 = arith.constant 0 : i32
      %dma_start3A_199 = tpu.memref_slice %arg4[%squeeze3A_193, %dma_start3A_198] : memref<100001x32xf32, #tpu.memory_space<hbm>> -> memref<1x32xf32, #tpu.memory_space<hbm>>
      %dma_start3A_200 = arith.constant 0 : i32
      %dma_start3A_201 = tpu.memref_slice %arg10[%add3A_195, %dma_start3A_200] : memref<128x32xf32, #tpu.memory_space<vmem>> -> memref<1x32xf32, #tpu.memory_space<vmem>>
      %dma_start3A_202 = arith.constant 0 : i32
      %dma_start3A_203 = tpu.memref_slice %arg4[%squeeze3A_193, %dma_start3A_202] : memref<100001x32xf32, #tpu.memory_space<hbm>> -> memref<1x32xf32, #tpu.memory_space<hbm>>
      tpu.enqueue_dma source(%dma_start3A_203 : memref<1x32xf32, #tpu.memory_space<hbm>>) target(%dma_start3A_201 : memref<1x32xf32, #tpu.memory_space<vmem>>) target_semaphore(%arg12 : memref<!tpu.dma_semaphore, #tpu.memory_space<semaphore_mem>>)
      %slice3A_204 = vector.extract_strided_slice %get3A_26 {offsets = [7], sizes = [1], strides = [1]} : vector<16xi32> to vector<1xi32>
      %squeeze3A_205 = vector.extract %slice3A_204[0] : i32 from vector<1xi32>
      %add3A_206 = arith.constant 7 : i32
      %add3A_207 = arith.addi %mul3A_21, %add3A_206 : i32
      %dma_start3A_208 = arith.constant 0 : i32
      %dma_start3A_209 = tpu.memref_slice %arg11[%add3A_207, %dma_start3A_208] : memref<128x32xf32, #tpu.memory_space<vmem>> -> memref<1x32xf32, #tpu.memory_space<vmem>>
      %dma_start3A_210 = arith.constant 0 : i32
      %dma_start3A_211 = tpu.memref_slice %arg5[%squeeze3A_205, %dma_start3A_210] : memref<100001x32xf32, #tpu.memory_space<hbm>> -> memref<1x32xf32, #tpu.memory_space<hbm>>
      %dma_start3A_212 = arith.constant 0 : i32
      %dma_start3A_213 = tpu.memref_slice %arg11[%add3A_207, %dma_start3A_212] : memref<128x32xf32, #tpu.memory_space<vmem>> -> memref<1x32xf32, #tpu.memory_space<vmem>>
      %dma_start3A_214 = arith.constant 0 : i32
      %dma_start3A_215 = tpu.memref_slice %arg5[%squeeze3A_205, %dma_start3A_214] : memref<100001x32xf32, #tpu.memory_space<hbm>> -> memref<1x32xf32, #tpu.memory_space<hbm>>
      tpu.enqueue_dma source(%dma_start3A_215 : memref<1x32xf32, #tpu.memory_space<hbm>>) target(%dma_start3A_213 : memref<1x32xf32, #tpu.memory_space<vmem>>) target_semaphore(%arg13 : memref<!tpu.dma_semaphore, #tpu.memory_space<semaphore_mem>>)
      %slice3A_216 = vector.extract_strided_slice %get3A_23 {offsets = [8], sizes = [1], strides = [1]} : vector<16xi32> to vector<1xi32>
      %squeeze3A_217 = vector.extract %slice3A_216[0] : i32 from vector<1xi32>
      %add3A_218 = arith.constant 8 : i32
      %add3A_219 = arith.addi %mul3A_21, %add3A_218 : i32
      %dma_start3A_220 = arith.constant 0 : i32
      %dma_start3A_221 = tpu.memref_slice %arg10[%add3A_219, %dma_start3A_220] : memref<128x32xf32, #tpu.memory_space<vmem>> -> memref<1x32xf32, #tpu.memory_space<vmem>>
      %dma_start3A_222 = arith.constant 0 : i32
      %dma_start3A_223 = tpu.memref_slice %arg4[%squeeze3A_217, %dma_start3A_222] : memref<100001x32xf32, #tpu.memory_space<hbm>> -> memref<1x32xf32, #tpu.memory_space<hbm>>
      %dma_start3A_224 = arith.constant 0 : i32
      %dma_start3A_225 = tpu.memref_slice %arg10[%add3A_219, %dma_start3A_224] : memref<128x32xf32, #tpu.memory_space<vmem>> -> memref<1x32xf32, #tpu.memory_space<vmem>>
      %dma_start3A_226 = arith.constant 0 : i32
      %dma_start3A_227 = tpu.memref_slice %arg4[%squeeze3A_217, %dma_start3A_226] : memref<100001x32xf32, #tpu.memory_space<hbm>> -> memref<1x32xf32, #tpu.memory_space<hbm>>
      tpu.enqueue_dma source(%dma_start3A_227 : memref<1x32xf32, #tpu.memory_space<hbm>>) target(%dma_start3A_225 : memref<1x32xf32, #tpu.memory_space<vmem>>) target_semaphore(%arg12 : memref<!tpu.dma_semaphore, #tpu.memory_space<semaphore_mem>>)
      %slice3A_228 = vector.extract_strided_slice %get3A_26 {offsets = [8], sizes = [1], strides = [1]} : vector<16xi32> to vector<1xi32>
      %squeeze3A_229 = vector.extract %slice3A_228[0] : i32 from vector<1xi32>
      %add3A_230 = arith.constant 8 : i32
      %add3A_231 = arith.addi %mul3A_21, %add3A_230 : i32
      %dma_start3A_232 = arith.constant 0 : i32
      %dma_start3A_233 = tpu.memref_slice %arg11[%add3A_231, %dma_start3A_232] : memref<128x32xf32, #tpu.memory_space<vmem>> -> memref<1x32xf32, #tpu.memory_space<vmem>>
      %dma_start3A_234 = arith.constant 0 : i32
      %dma_start3A_235 = tpu.memref_slice %arg5[%squeeze3A_229, %dma_start3A_234] : memref<100001x32xf32, #tpu.memory_space<hbm>> -> memref<1x32xf32, #tpu.memory_space<hbm>>
      %dma_start3A_236 = arith.constant 0 : i32
      %dma_start3A_237 = tpu.memref_slice %arg11[%add3A_231, %dma_start3A_236] : memref<128x32xf32, #tpu.memory_space<vmem>> -> memref<1x32xf32, #tpu.memory_space<vmem>>
      %dma_start3A_238 = arith.constant 0 : i32
      %dma_start3A_239 = tpu.memref_slice %arg5[%squeeze3A_229, %dma_start3A_238] : memref<100001x32xf32, #tpu.memory_space<hbm>> -> memref<1x32xf32, #tpu.memory_space<hbm>>
      tpu.enqueue_dma source(%dma_start3A_239 : memref<1x32xf32, #tpu.memory_space<hbm>>) target(%dma_start3A_237 : memref<1x32xf32, #tpu.memory_space<vmem>>) target_semaphore(%arg13 : memref<!tpu.dma_semaphore, #tpu.memory_space<semaphore_mem>>)
      %slice3A_240 = vector.extract_strided_slice %get3A_23 {offsets = [9], sizes = [1], strides = [1]} : vector<16xi32> to vector<1xi32>
      %squeeze3A_241 = vector.extract %slice3A_240[0] : i32 from vector<1xi32>
      %add3A_242 = arith.constant 9 : i32
      %add3A_243 = arith.addi %mul3A_21, %add3A_242 : i32
      %dma_start3A_244 = arith.constant 0 : i32
      %dma_start3A_245 = tpu.memref_slice %arg10[%add3A_243, %dma_start3A_244] : memref<128x32xf32, #tpu.memory_space<vmem>> -> memref<1x32xf32, #tpu.memory_space<vmem>>
      %dma_start3A_246 = arith.constant 0 : i32
      %dma_start3A_247 = tpu.memref_slice %arg4[%squeeze3A_241, %dma_start3A_246] : memref<100001x32xf32, #tpu.memory_space<hbm>> -> memref<1x32xf32, #tpu.memory_space<hbm>>
      %dma_start3A_248 = arith.constant 0 : i32
      %dma_start3A_249 = tpu.memref_slice %arg10[%add3A_243, %dma_start3A_248] : memref<128x32xf32, #tpu.memory_space<vmem>> -> memref<1x32xf32, #tpu.memory_space<vmem>>
      %dma_start3A_250 = arith.constant 0 : i32
      %dma_start3A_251 = tpu.memref_slice %arg4[%squeeze3A_241, %dma_start3A_250] : memref<100001x32xf32, #tpu.memory_space<hbm>> -> memref<1x32xf32, #tpu.memory_space<hbm>>
      tpu.enqueue_dma source(%dma_start3A_251 : memref<1x32xf32, #tpu.memory_space<hbm>>) target(%dma_start3A_249 : memref<1x32xf32, #tpu.memory_space<vmem>>) target_semaphore(%arg12 : memref<!tpu.dma_semaphore, #tpu.memory_space<semaphore_mem>>)
      %slice3A_252 = vector.extract_strided_slice %get3A_26 {offsets = [9], sizes = [1], strides = [1]} : vector<16xi32> to vector<1xi32>
      %squeeze3A_253 = vector.extract %slice3A_252[0] : i32 from vector<1xi32>
      %add3A_254 = arith.constant 9 : i32
      %add3A_255 = arith.addi %mul3A_21, %add3A_254 : i32
      %dma_start3A_256 = arith.constant 0 : i32
      %dma_start3A_257 = tpu.memref_slice %arg11[%add3A_255, %dma_start3A_256] : memref<128x32xf32, #tpu.memory_space<vmem>> -> memref<1x32xf32, #tpu.memory_space<vmem>>
      %dma_start3A_258 = arith.constant 0 : i32
      %dma_start3A_259 = tpu.memref_slice %arg5[%squeeze3A_253, %dma_start3A_258] : memref<100001x32xf32, #tpu.memory_space<hbm>> -> memref<1x32xf32, #tpu.memory_space<hbm>>
      %dma_start3A_260 = arith.constant 0 : i32
      %dma_start3A_261 = tpu.memref_slice %arg11[%add3A_255, %dma_start3A_260] : memref<128x32xf32, #tpu.memory_space<vmem>> -> memref<1x32xf32, #tpu.memory_space<vmem>>
      %dma_start3A_262 = arith.constant 0 : i32
      %dma_start3A_263 = tpu.memref_slice %arg5[%squeeze3A_253, %dma_start3A_262] : memref<100001x32xf32, #tpu.memory_space<hbm>> -> memref<1x32xf32, #tpu.memory_space<hbm>>
      tpu.enqueue_dma source(%dma_start3A_263 : memref<1x32xf32, #tpu.memory_space<hbm>>) target(%dma_start3A_261 : memref<1x32xf32, #tpu.memory_space<vmem>>) target_semaphore(%arg13 : memref<!tpu.dma_semaphore, #tpu.memory_space<semaphore_mem>>)
      %slice3A_264 = vector.extract_strided_slice %get3A_23 {offsets = [10], sizes = [1], strides = [1]} : vector<16xi32> to vector<1xi32>
      %squeeze3A_265 = vector.extract %slice3A_264[0] : i32 from vector<1xi32>
      %add3A_266 = arith.constant 10 : i32
      %add3A_267 = arith.addi %mul3A_21, %add3A_266 : i32
      %dma_start3A_268 = arith.constant 0 : i32
      %dma_start3A_269 = tpu.memref_slice %arg10[%add3A_267, %dma_start3A_268] : memref<128x32xf32, #tpu.memory_space<vmem>> -> memref<1x32xf32, #tpu.memory_space<vmem>>
      %dma_start3A_270 = arith.constant 0 : i32
      %dma_start3A_271 = tpu.memref_slice %arg4[%squeeze3A_265, %dma_start3A_270] : memref<100001x32xf32, #tpu.memory_space<hbm>> -> memref<1x32xf32, #tpu.memory_space<hbm>>
      %dma_start3A_272 = arith.constant 0 : i32
      %dma_start3A_273 = tpu.memref_slice %arg10[%add3A_267, %dma_start3A_272] : memref<128x32xf32, #tpu.memory_space<vmem>> -> memref<1x32xf32, #tpu.memory_space<vmem>>
      %dma_start3A_274 = arith.constant 0 : i32
      %dma_start3A_275 = tpu.memref_slice %arg4[%squeeze3A_265, %dma_start3A_274] : memref<100001x32xf32, #tpu.memory_space<hbm>> -> memref<1x32xf32, #tpu.memory_space<hbm>>
      tpu.enqueue_dma source(%dma_start3A_275 : memref<1x32xf32, #tpu.memory_space<hbm>>) target(%dma_start3A_273 : memref<1x32xf32, #tpu.memory_space<vmem>>) target_semaphore(%arg12 : memref<!tpu.dma_semaphore, #tpu.memory_space<semaphore_mem>>)
      %slice3A_276 = vector.extract_strided_slice %get3A_26 {offsets = [10], sizes = [1], strides = [1]} : vector<16xi32> to vector<1xi32>
      %squeeze3A_277 = vector.extract %slice3A_276[0] : i32 from vector<1xi32>
      %add3A_278 = arith.constant 10 : i32
      %add3A_279 = arith.addi %mul3A_21, %add3A_278 : i32
      %dma_start3A_280 = arith.constant 0 : i32
      %dma_start3A_281 = tpu.memref_slice %arg11[%add3A_279, %dma_start3A_280] : memref<128x32xf32, #tpu.memory_space<vmem>> -> memref<1x32xf32, #tpu.memory_space<vmem>>
      %dma_start3A_282 = arith.constant 0 : i32
      %dma_start3A_283 = tpu.memref_slice %arg5[%squeeze3A_277, %dma_start3A_282] : memref<100001x32xf32, #tpu.memory_space<hbm>> -> memref<1x32xf32, #tpu.memory_space<hbm>>
      %dma_start3A_284 = arith.constant 0 : i32
      %dma_start3A_285 = tpu.memref_slice %arg11[%add3A_279, %dma_start3A_284] : memref<128x32xf32, #tpu.memory_space<vmem>> -> memref<1x32xf32, #tpu.memory_space<vmem>>
      %dma_start3A_286 = arith.constant 0 : i32
      %dma_start3A_287 = tpu.memref_slice %arg5[%squeeze3A_277, %dma_start3A_286] : memref<100001x32xf32, #tpu.memory_space<hbm>> -> memref<1x32xf32, #tpu.memory_space<hbm>>
      tpu.enqueue_dma source(%dma_start3A_287 : memref<1x32xf32, #tpu.memory_space<hbm>>) target(%dma_start3A_285 : memref<1x32xf32, #tpu.memory_space<vmem>>) target_semaphore(%arg13 : memref<!tpu.dma_semaphore, #tpu.memory_space<semaphore_mem>>)
      %slice3A_288 = vector.extract_strided_slice %get3A_23 {offsets = [11], sizes = [1], strides = [1]} : vector<16xi32> to vector<1xi32>
      %squeeze3A_289 = vector.extract %slice3A_288[0] : i32 from vector<1xi32>
      %add3A_290 = arith.constant 11 : i32
      %add3A_291 = arith.addi %mul3A_21, %add3A_290 : i32
      %dma_start3A_292 = arith.constant 0 : i32
      %dma_start3A_293 = tpu.memref_slice %arg10[%add3A_291, %dma_start3A_292] : memref<128x32xf32, #tpu.memory_space<vmem>> -> memref<1x32xf32, #tpu.memory_space<vmem>>
      %dma_start3A_294 = arith.constant 0 : i32
      %dma_start3A_295 = tpu.memref_slice %arg4[%squeeze3A_289, %dma_start3A_294] : memref<100001x32xf32, #tpu.memory_space<hbm>> -> memref<1x32xf32, #tpu.memory_space<hbm>>
      %dma_start3A_296 = arith.constant 0 : i32
      %dma_start3A_297 = tpu.memref_slice %arg10[%add3A_291, %dma_start3A_296] : memref<128x32xf32, #tpu.memory_space<vmem>> -> memref<1x32xf32, #tpu.memory_space<vmem>>
      %dma_start3A_298 = arith.constant 0 : i32
      %dma_start3A_299 = tpu.memref_slice %arg4[%squeeze3A_289, %dma_start3A_298] : memref<100001x32xf32, #tpu.memory_space<hbm>> -> memref<1x32xf32, #tpu.memory_space<hbm>>
      tpu.enqueue_dma source(%dma_start3A_299 : memref<1x32xf32, #tpu.memory_space<hbm>>) target(%dma_start3A_297 : memref<1x32xf32, #tpu.memory_space<vmem>>) target_semaphore(%arg12 : memref<!tpu.dma_semaphore, #tpu.memory_space<semaphore_mem>>)
      %slice3A_300 = vector.extract_strided_slice %get3A_26 {offsets = [11], sizes = [1], strides = [1]} : vector<16xi32> to vector<1xi32>
      %squeeze3A_301 = vector.extract %slice3A_300[0] : i32 from vector<1xi32>
      %add3A_302 = arith.constant 11 : i32
      %add3A_303 = arith.addi %mul3A_21, %add3A_302 : i32
      %dma_start3A_304 = arith.constant 0 : i32
      %dma_start3A_305 = tpu.memref_slice %arg11[%add3A_303, %dma_start3A_304] : memref<128x32xf32, #tpu.memory_space<vmem>> -> memref<1x32xf32, #tpu.memory_space<vmem>>
      %dma_start3A_306 = arith.constant 0 : i32
      %dma_start3A_307 = tpu.memref_slice %arg5[%squeeze3A_301, %dma_start3A_306] : memref<100001x32xf32, #tpu.memory_space<hbm>> -> memref<1x32xf32, #tpu.memory_space<hbm>>
      %dma_start3A_308 = arith.constant 0 : i32
      %dma_start3A_309 = tpu.memref_slice %arg11[%add3A_303, %dma_start3A_308] : memref<128x32xf32, #tpu.memory_space<vmem>> -> memref<1x32xf32, #tpu.memory_space<vmem>>
      %dma_start3A_310 = arith.constant 0 : i32
      %dma_start3A_311 = tpu.memref_slice %arg5[%squeeze3A_301, %dma_start3A_310] : memref<100001x32xf32, #tpu.memory_space<hbm>> -> memref<1x32xf32, #tpu.memory_space<hbm>>
      tpu.enqueue_dma source(%dma_start3A_311 : memref<1x32xf32, #tpu.memory_space<hbm>>) target(%dma_start3A_309 : memref<1x32xf32, #tpu.memory_space<vmem>>) target_semaphore(%arg13 : memref<!tpu.dma_semaphore, #tpu.memory_space<semaphore_mem>>)
      %slice3A_312 = vector.extract_strided_slice %get3A_23 {offsets = [12], sizes = [1], strides = [1]} : vector<16xi32> to vector<1xi32>
      %squeeze3A_313 = vector.extract %slice3A_312[0] : i32 from vector<1xi32>
      %add3A_314 = arith.constant 12 : i32
      %add3A_315 = arith.addi %mul3A_21, %add3A_314 : i32
      %dma_start3A_316 = arith.constant 0 : i32
      %dma_start3A_317 = tpu.memref_slice %arg10[%add3A_315, %dma_start3A_316] : memref<128x32xf32, #tpu.memory_space<vmem>> -> memref<1x32xf32, #tpu.memory_space<vmem>>
      %dma_start3A_318 = arith.constant 0 : i32
      %dma_start3A_319 = tpu.memref_slice %arg4[%squeeze3A_313, %dma_start3A_318] : memref<100001x32xf32, #tpu.memory_space<hbm>> -> memref<1x32xf32, #tpu.memory_space<hbm>>
      %dma_start3A_320 = arith.constant 0 : i32
      %dma_start3A_321 = tpu.memref_slice %arg10[%add3A_315, %dma_start3A_320] : memref<128x32xf32, #tpu.memory_space<vmem>> -> memref<1x32xf32, #tpu.memory_space<vmem>>
      %dma_start3A_322 = arith.constant 0 : i32
      %dma_start3A_323 = tpu.memref_slice %arg4[%squeeze3A_313, %dma_start3A_322] : memref<100001x32xf32, #tpu.memory_space<hbm>> -> memref<1x32xf32, #tpu.memory_space<hbm>>
      tpu.enqueue_dma source(%dma_start3A_323 : memref<1x32xf32, #tpu.memory_space<hbm>>) target(%dma_start3A_321 : memref<1x32xf32, #tpu.memory_space<vmem>>) target_semaphore(%arg12 : memref<!tpu.dma_semaphore, #tpu.memory_space<semaphore_mem>>)
      %slice3A_324 = vector.extract_strided_slice %get3A_26 {offsets = [12], sizes = [1], strides = [1]} : vector<16xi32> to vector<1xi32>
      %squeeze3A_325 = vector.extract %slice3A_324[0] : i32 from vector<1xi32>
      %add3A_326 = arith.constant 12 : i32
      %add3A_327 = arith.addi %mul3A_21, %add3A_326 : i32
      %dma_start3A_328 = arith.constant 0 : i32
      %dma_start3A_329 = tpu.memref_slice %arg11[%add3A_327, %dma_start3A_328] : memref<128x32xf32, #tpu.memory_space<vmem>> -> memref<1x32xf32, #tpu.memory_space<vmem>>
      %dma_start3A_330 = arith.constant 0 : i32
      %dma_start3A_331 = tpu.memref_slice %arg5[%squeeze3A_325, %dma_start3A_330] : memref<100001x32xf32, #tpu.memory_space<hbm>> -> memref<1x32xf32, #tpu.memory_space<hbm>>
      %dma_start3A_332 = arith.constant 0 : i32
      %dma_start3A_333 = tpu.memref_slice %arg11[%add3A_327, %dma_start3A_332] : memref<128x32xf32, #tpu.memory_space<vmem>> -> memref<1x32xf32, #tpu.memory_space<vmem>>
      %dma_start3A_334 = arith.constant 0 : i32
      %dma_start3A_335 = tpu.memref_slice %arg5[%squeeze3A_325, %dma_start3A_334] : memref<100001x32xf32, #tpu.memory_space<hbm>> -> memref<1x32xf32, #tpu.memory_space<hbm>>
      tpu.enqueue_dma source(%dma_start3A_335 : memref<1x32xf32, #tpu.memory_space<hbm>>) target(%dma_start3A_333 : memref<1x32xf32, #tpu.memory_space<vmem>>) target_semaphore(%arg13 : memref<!tpu.dma_semaphore, #tpu.memory_space<semaphore_mem>>)
      %slice3A_336 = vector.extract_strided_slice %get3A_23 {offsets = [13], sizes = [1], strides = [1]} : vector<16xi32> to vector<1xi32>
      %squeeze3A_337 = vector.extract %slice3A_336[0] : i32 from vector<1xi32>
      %add3A_338 = arith.constant 13 : i32
      %add3A_339 = arith.addi %mul3A_21, %add3A_338 : i32
      %dma_start3A_340 = arith.constant 0 : i32
      %dma_start3A_341 = tpu.memref_slice %arg10[%add3A_339, %dma_start3A_340] : memref<128x32xf32, #tpu.memory_space<vmem>> -> memref<1x32xf32, #tpu.memory_space<vmem>>
      %dma_start3A_342 = arith.constant 0 : i32
      %dma_start3A_343 = tpu.memref_slice %arg4[%squeeze3A_337, %dma_start3A_342] : memref<100001x32xf32, #tpu.memory_space<hbm>> -> memref<1x32xf32, #tpu.memory_space<hbm>>
      %dma_start3A_344 = arith.constant 0 : i32
      %dma_start3A_345 = tpu.memref_slice %arg10[%add3A_339, %dma_start3A_344] : memref<128x32xf32, #tpu.memory_space<vmem>> -> memref<1x32xf32, #tpu.memory_space<vmem>>
      %dma_start3A_346 = arith.constant 0 : i32
      %dma_start3A_347 = tpu.memref_slice %arg4[%squeeze3A_337, %dma_start3A_346] : memref<100001x32xf32, #tpu.memory_space<hbm>> -> memref<1x32xf32, #tpu.memory_space<hbm>>
      tpu.enqueue_dma source(%dma_start3A_347 : memref<1x32xf32, #tpu.memory_space<hbm>>) target(%dma_start3A_345 : memref<1x32xf32, #tpu.memory_space<vmem>>) target_semaphore(%arg12 : memref<!tpu.dma_semaphore, #tpu.memory_space<semaphore_mem>>)
      %slice3A_348 = vector.extract_strided_slice %get3A_26 {offsets = [13], sizes = [1], strides = [1]} : vector<16xi32> to vector<1xi32>
      %squeeze3A_349 = vector.extract %slice3A_348[0] : i32 from vector<1xi32>
      %add3A_350 = arith.constant 13 : i32
      %add3A_351 = arith.addi %mul3A_21, %add3A_350 : i32
      %dma_start3A_352 = arith.constant 0 : i32
      %dma_start3A_353 = tpu.memref_slice %arg11[%add3A_351, %dma_start3A_352] : memref<128x32xf32, #tpu.memory_space<vmem>> -> memref<1x32xf32, #tpu.memory_space<vmem>>
      %dma_start3A_354 = arith.constant 0 : i32
      %dma_start3A_355 = tpu.memref_slice %arg5[%squeeze3A_349, %dma_start3A_354] : memref<100001x32xf32, #tpu.memory_space<hbm>> -> memref<1x32xf32, #tpu.memory_space<hbm>>
      %dma_start3A_356 = arith.constant 0 : i32
      %dma_start3A_357 = tpu.memref_slice %arg11[%add3A_351, %dma_start3A_356] : memref<128x32xf32, #tpu.memory_space<vmem>> -> memref<1x32xf32, #tpu.memory_space<vmem>>
      %dma_start3A_358 = arith.constant 0 : i32
      %dma_start3A_359 = tpu.memref_slice %arg5[%squeeze3A_349, %dma_start3A_358] : memref<100001x32xf32, #tpu.memory_space<hbm>> -> memref<1x32xf32, #tpu.memory_space<hbm>>
      tpu.enqueue_dma source(%dma_start3A_359 : memref<1x32xf32, #tpu.memory_space<hbm>>) target(%dma_start3A_357 : memref<1x32xf32, #tpu.memory_space<vmem>>) target_semaphore(%arg13 : memref<!tpu.dma_semaphore, #tpu.memory_space<semaphore_mem>>)
      %slice3A_360 = vector.extract_strided_slice %get3A_23 {offsets = [14], sizes = [1], strides = [1]} : vector<16xi32> to vector<1xi32>
      %squeeze3A_361 = vector.extract %slice3A_360[0] : i32 from vector<1xi32>
      %add3A_362 = arith.constant 14 : i32
      %add3A_363 = arith.addi %mul3A_21, %add3A_362 : i32
      %dma_start3A_364 = arith.constant 0 : i32
      %dma_start3A_365 = tpu.memref_slice %arg10[%add3A_363, %dma_start3A_364] : memref<128x32xf32, #tpu.memory_space<vmem>> -> memref<1x32xf32, #tpu.memory_space<vmem>>
      %dma_start3A_366 = arith.constant 0 : i32
      %dma_start3A_367 = tpu.memref_slice %arg4[%squeeze3A_361, %dma_start3A_366] : memref<100001x32xf32, #tpu.memory_space<hbm>> -> memref<1x32xf32, #tpu.memory_space<hbm>>
      %dma_start3A_368 = arith.constant 0 : i32
      %dma_start3A_369 = tpu.memref_slice %arg10[%add3A_363, %dma_start3A_368] : memref<128x32xf32, #tpu.memory_space<vmem>> -> memref<1x32xf32, #tpu.memory_space<vmem>>
      %dma_start3A_370 = arith.constant 0 : i32
      %dma_start3A_371 = tpu.memref_slice %arg4[%squeeze3A_361, %dma_start3A_370] : memref<100001x32xf32, #tpu.memory_space<hbm>> -> memref<1x32xf32, #tpu.memory_space<hbm>>
      tpu.enqueue_dma source(%dma_start3A_371 : memref<1x32xf32, #tpu.memory_space<hbm>>) target(%dma_start3A_369 : memref<1x32xf32, #tpu.memory_space<vmem>>) target_semaphore(%arg12 : memref<!tpu.dma_semaphore, #tpu.memory_space<semaphore_mem>>)
      %slice3A_372 = vector.extract_strided_slice %get3A_26 {offsets = [14], sizes = [1], strides = [1]} : vector<16xi32> to vector<1xi32>
      %squeeze3A_373 = vector.extract %slice3A_372[0] : i32 from vector<1xi32>
      %add3A_374 = arith.constant 14 : i32
      %add3A_375 = arith.addi %mul3A_21, %add3A_374 : i32
      %dma_start3A_376 = arith.constant 0 : i32
      %dma_start3A_377 = tpu.memref_slice %arg11[%add3A_375, %dma_start3A_376] : memref<128x32xf32, #tpu.memory_space<vmem>> -> memref<1x32xf32, #tpu.memory_space<vmem>>
      %dma_start3A_378 = arith.constant 0 : i32
      %dma_start3A_379 = tpu.memref_slice %arg5[%squeeze3A_373, %dma_start3A_378] : memref<100001x32xf32, #tpu.memory_space<hbm>> -> memref<1x32xf32, #tpu.memory_space<hbm>>
      %dma_start3A_380 = arith.constant 0 : i32
      %dma_start3A_381 = tpu.memref_slice %arg11[%add3A_375, %dma_start3A_380] : memref<128x32xf32, #tpu.memory_space<vmem>> -> memref<1x32xf32, #tpu.memory_space<vmem>>
      %dma_start3A_382 = arith.constant 0 : i32
      %dma_start3A_383 = tpu.memref_slice %arg5[%squeeze3A_373, %dma_start3A_382] : memref<100001x32xf32, #tpu.memory_space<hbm>> -> memref<1x32xf32, #tpu.memory_space<hbm>>
      tpu.enqueue_dma source(%dma_start3A_383 : memref<1x32xf32, #tpu.memory_space<hbm>>) target(%dma_start3A_381 : memref<1x32xf32, #tpu.memory_space<vmem>>) target_semaphore(%arg13 : memref<!tpu.dma_semaphore, #tpu.memory_space<semaphore_mem>>)
      %slice3A_384 = vector.extract_strided_slice %get3A_23 {offsets = [15], sizes = [1], strides = [1]} : vector<16xi32> to vector<1xi32>
      %squeeze3A_385 = vector.extract %slice3A_384[0] : i32 from vector<1xi32>
      %add3A_386 = arith.constant 15 : i32
      %add3A_387 = arith.addi %mul3A_21, %add3A_386 : i32
      %dma_start3A_388 = arith.constant 0 : i32
      %dma_start3A_389 = tpu.memref_slice %arg10[%add3A_387, %dma_start3A_388] : memref<128x32xf32, #tpu.memory_space<vmem>> -> memref<1x32xf32, #tpu.memory_space<vmem>>
      %dma_start3A_390 = arith.constant 0 : i32
      %dma_start3A_391 = tpu.memref_slice %arg4[%squeeze3A_385, %dma_start3A_390] : memref<100001x32xf32, #tpu.memory_space<hbm>> -> memref<1x32xf32, #tpu.memory_space<hbm>>
      %dma_start3A_392 = arith.constant 0 : i32
      %dma_start3A_393 = tpu.memref_slice %arg10[%add3A_387, %dma_start3A_392] : memref<128x32xf32, #tpu.memory_space<vmem>> -> memref<1x32xf32, #tpu.memory_space<vmem>>
      %dma_start3A_394 = arith.constant 0 : i32
      %dma_start3A_395 = tpu.memref_slice %arg4[%squeeze3A_385, %dma_start3A_394] : memref<100001x32xf32, #tpu.memory_space<hbm>> -> memref<1x32xf32, #tpu.memory_space<hbm>>
      tpu.enqueue_dma source(%dma_start3A_395 : memref<1x32xf32, #tpu.memory_space<hbm>>) target(%dma_start3A_393 : memref<1x32xf32, #tpu.memory_space<vmem>>) target_semaphore(%arg12 : memref<!tpu.dma_semaphore, #tpu.memory_space<semaphore_mem>>)
      %slice3A_396 = vector.extract_strided_slice %get3A_26 {offsets = [15], sizes = [1], strides = [1]} : vector<16xi32> to vector<1xi32>
      %squeeze3A_397 = vector.extract %slice3A_396[0] : i32 from vector<1xi32>
      %add3A_398 = arith.constant 15 : i32
      %add3A_399 = arith.addi %mul3A_21, %add3A_398 : i32
      %dma_start3A_400 = arith.constant 0 : i32
      %dma_start3A_401 = tpu.memref_slice %arg11[%add3A_399, %dma_start3A_400] : memref<128x32xf32, #tpu.memory_space<vmem>> -> memref<1x32xf32, #tpu.memory_space<vmem>>
      %dma_start3A_402 = arith.constant 0 : i32
      %dma_start3A_403 = tpu.memref_slice %arg5[%squeeze3A_397, %dma_start3A_402] : memref<100001x32xf32, #tpu.memory_space<hbm>> -> memref<1x32xf32, #tpu.memory_space<hbm>>
      %dma_start3A_404 = arith.constant 0 : i32
      %dma_start3A_405 = tpu.memref_slice %arg11[%add3A_399, %dma_start3A_404] : memref<128x32xf32, #tpu.memory_space<vmem>> -> memref<1x32xf32, #tpu.memory_space<vmem>>
      %dma_start3A_406 = arith.constant 0 : i32
      %dma_start3A_407 = tpu.memref_slice %arg5[%squeeze3A_397, %dma_start3A_406] : memref<100001x32xf32, #tpu.memory_space<hbm>> -> memref<1x32xf32, #tpu.memory_space<hbm>>
      tpu.enqueue_dma source(%dma_start3A_407 : memref<1x32xf32, #tpu.memory_space<hbm>>) target(%dma_start3A_405 : memref<1x32xf32, #tpu.memory_space<vmem>>) target_semaphore(%arg13 : memref<!tpu.dma_semaphore, #tpu.memory_space<semaphore_mem>>)
    }
    %scan3A_7 = arith.constant 8 : i32
    %dma_wait3A = arith.constant 0 : i32
    %dma_wait3A_8 = arith.constant 0 : i32
    %dma_wait3A_9 = tpu.memref_slice %arg4[%dma_wait3A, %dma_wait3A_8] : memref<100001x32xf32, #tpu.memory_space<hbm>> -> memref<128x32xf32, #tpu.memory_space<hbm>>
    %dma_wait3A_10 = arith.constant 0 : i32
    %dma_wait3A_11 = arith.constant 0 : i32
    %dma_wait3A_12 = tpu.memref_slice %arg4[%dma_wait3A_10, %dma_wait3A_11] : memref<100001x32xf32, #tpu.memory_space<hbm>> -> memref<128x32xf32, #tpu.memory_space<hbm>>
    tpu.wait_dma2 semaphore(%arg12 : memref<!tpu.dma_semaphore, #tpu.memory_space<semaphore_mem>>) src(%dma_wait3A_12 : memref<128x32xf32, #tpu.memory_space<hbm>>) dst(%arg10 : memref<128x32xf32, #tpu.memory_space<vmem>>)
    "tpu.region"() ({
      %run_scoped3A = tpu.sem_alloc : memref<!tpu.dma_semaphore, #tpu.memory_space<semaphore_mem>>
      %dma_start3A = arith.constant 0 : i32
      %dma_start3A_19 = tpu.memref_slice %arg6[%mul3A_2, %dma_start3A] : memref<4096x32xf32, #tpu.memory_space<hbm>> -> memref<128x32xf32, #tpu.memory_space<hbm>>
      %dma_start3A_20 = arith.constant 0 : i32
      %dma_start3A_21 = tpu.memref_slice %arg6[%mul3A_2, %dma_start3A_20] : memref<4096x32xf32, #tpu.memory_space<hbm>> -> memref<128x32xf32, #tpu.memory_space<hbm>>
      tpu.enqueue_dma source(%arg10 : memref<128x32xf32, #tpu.memory_space<vmem>>) target(%dma_start3A_21 : memref<128x32xf32, #tpu.memory_space<hbm>>) target_semaphore(%run_scoped3A : memref<!tpu.dma_semaphore, #tpu.memory_space<semaphore_mem>>)
      %dma_wait3A_22 = arith.constant 0 : i32
      %dma_wait3A_23 = tpu.memref_slice %arg6[%mul3A_2, %dma_wait3A_22] : memref<4096x32xf32, #tpu.memory_space<hbm>> -> memref<128x32xf32, #tpu.memory_space<hbm>>
      %dma_wait3A_24 = arith.constant 0 : i32
      %dma_wait3A_25 = tpu.memref_slice %arg6[%mul3A_2, %dma_wait3A_24] : memref<4096x32xf32, #tpu.memory_space<hbm>> -> memref<128x32xf32, #tpu.memory_space<hbm>>
      tpu.wait_dma2 semaphore(%run_scoped3A : memref<!tpu.dma_semaphore, #tpu.memory_space<semaphore_mem>>) src(%arg10 : memref<128x32xf32, #tpu.memory_space<vmem>>) dst(%dma_wait3A_25 : memref<128x32xf32, #tpu.memory_space<hbm>>)
      tpu.yield
    }) : () -> ()
    %dma_wait3A_13 = arith.constant 0 : i32
    %dma_wait3A_14 = arith.constant 0 : i32
    %dma_wait3A_15 = tpu.memref_slice %arg5[%dma_wait3A_13, %dma_wait3A_14] : memref<100001x32xf32, #tpu.memory_space<hbm>> -> memref<128x32xf32, #tpu.memory_space<hbm>>
    %dma_wait3A_16 = arith.constant 0 : i32
    %dma_wait3A_17 = arith.constant 0 : i32
    %dma_wait3A_18 = tpu.memref_slice %arg5[%dma_wait3A_16, %dma_wait3A_17] : memref<100001x32xf32, #tpu.memory_space<hbm>> -> memref<128x32xf32, #tpu.memory_space<hbm>>
    tpu.wait_dma2 semaphore(%arg13 : memref<!tpu.dma_semaphore, #tpu.memory_space<semaphore_mem>>) src(%dma_wait3A_18 : memref<128x32xf32, #tpu.memory_space<hbm>>) dst(%arg11 : memref<128x32xf32, #tpu.memory_space<vmem>>)
    "tpu.region"() ({
      %run_scoped3A = tpu.sem_alloc : memref<!tpu.dma_semaphore, #tpu.memory_space<semaphore_mem>>
      %dma_start3A = arith.constant 0 : i32
      %dma_start3A_19 = tpu.memref_slice %arg7[%mul3A_2, %dma_start3A] : memref<4096x32xf32, #tpu.memory_space<hbm>> -> memref<128x32xf32, #tpu.memory_space<hbm>>
      %dma_start3A_20 = arith.constant 0 : i32
      %dma_start3A_21 = tpu.memref_slice %arg7[%mul3A_2, %dma_start3A_20] : memref<4096x32xf32, #tpu.memory_space<hbm>> -> memref<128x32xf32, #tpu.memory_space<hbm>>
      tpu.enqueue_dma source(%arg11 : memref<128x32xf32, #tpu.memory_space<vmem>>) target(%dma_start3A_21 : memref<128x32xf32, #tpu.memory_space<hbm>>) target_semaphore(%run_scoped3A : memref<!tpu.dma_semaphore, #tpu.memory_space<semaphore_mem>>)
      %dma_wait3A_22 = arith.constant 0 : i32
      %dma_wait3A_23 = tpu.memref_slice %arg7[%mul3A_2, %dma_wait3A_22] : memref<4096x32xf32, #tpu.memory_space<hbm>> -> memref<128x32xf32, #tpu.memory_space<hbm>>
      %dma_wait3A_24 = arith.constant 0 : i32
      %dma_wait3A_25 = tpu.memref_slice %arg7[%mul3A_2, %dma_wait3A_24] : memref<4096x32xf32, #tpu.memory_space<hbm>> -> memref<128x32xf32, #tpu.memory_space<hbm>>
      tpu.wait_dma2 semaphore(%run_scoped3A : memref<!tpu.dma_semaphore, #tpu.memory_space<semaphore_mem>>) src(%arg11 : memref<128x32xf32, #tpu.memory_space<vmem>>) dst(%dma_wait3A_25 : memref<128x32xf32, #tpu.memory_space<hbm>>)
      tpu.yield
    }) : () -> ()
    return
  }
}

module attributes {stable_mosaic.version = 14 : i64} {
  func.func @_loss_body(%arg0: i32, %arg1: memref<1024x32xf32, #tpu.memory_space<vmem>>, %arg2: memref<4096x32xf32, #tpu.memory_space<vmem>>, %arg3: memref<1024x32xf32, #tpu.memory_space<vmem>>, %arg4: memref<1x1xf32, #tpu.memory_space<smem>>) attributes {dimension_semantics = [#tpu.dimension_semantics<arbitrary>], iteration_bounds = array<i64: 4>, scalar_prefetch = 0 : i64, scratch_operands = 0 : i64, tpu.core_type = #tpu.core_type<tc>, window_params = [{transform_indices = @transform_0, window_bounds = array<i64: 1024, 32>}, {pipeline_mode = #tpu.pipeline_mode<synchronous>, transform_indices = @transform_1, window_bounds = array<i64: 4096, 32>}, {transform_indices = @transform_2, window_bounds = array<i64: 1024, 32>}, {transform_indices = @transform_3, window_bounds = array<i64: 1, 1>}]} {
    %get3A = arith.constant 0 : index
    %get3A_0 = arith.constant 0 : index
    %get3A_1 = vector.load %arg1[%get3A, %get3A_0] : memref<1024x32xf32, #tpu.memory_space<vmem>>, vector<1024x32xf32>
    %get3A_2 = arith.constant 0 : index
    %get3A_3 = arith.constant 0 : index
    %get3A_4 = vector.load %arg2[%get3A_2, %get3A_3] : memref<4096x32xf32, #tpu.memory_space<vmem>>, vector<4096x32xf32>
    %convert_element_type3A = arith.truncf %get3A_1 : vector<1024x32xf32> to vector<1024x32xbf16>
    %convert_element_type3A_5 = arith.truncf %get3A_4 : vector<4096x32xf32> to vector<4096x32xbf16>
    %dot_general3A = arith.constant dense<0.000000e+00> : vector<1024x4096xf32>
    %dot_general3A_6 = tpu.matmul %convert_element_type3A, %convert_element_type3A_5, %dot_general3A {dimension_numbers = #tpu.dot_dimension_numbers<[1], [1], [0], [0], [0, 0, 1, 0], [], []>, transpose_lhs_hint = false} : vector<1024x32xbf16>, vector<4096x32xbf16>, vector<1024x4096xf32> -> vector<1024x4096xf32>
    %exp3A = math.exp %dot_general3A_6 : vector<1024x4096xf32>
    %reduce_sum3A = arith.constant dense<0.000000e+00> : vector<1024xf32>
    %reduce_sum3A_7 = vector.multi_reduction <add>, %exp3A, %reduce_sum3A [1] : vector<1024x4096xf32> to vector<1024xf32>
    %broadcast_in_dim3A = vector.shape_cast %reduce_sum3A_7 : vector<1024xf32> to vector<1024x1xf32>
    %log3A = math.log %broadcast_in_dim3A : vector<1024x1xf32>
    %get3A_8 = arith.constant 0 : index
    %get3A_9 = arith.constant 0 : index
    %get3A_10 = vector.load %arg3[%get3A_8, %get3A_9] : memref<1024x32xf32, #tpu.memory_space<vmem>>, vector<1024x32xf32>
    %mul3A = arith.mulf %get3A_1, %get3A_10 : vector<1024x32xf32>
    %reduce_sum3A_11 = arith.constant dense<0.000000e+00> : vector<1024xf32>
    %reduce_sum3A_12 = vector.multi_reduction <add>, %mul3A, %reduce_sum3A_11 [1] : vector<1024x32xf32> to vector<1024xf32>
    %broadcast_in_dim3A_13 = vector.shape_cast %reduce_sum3A_12 : vector<1024xf32> to vector<1024x1xf32>
    %sub3A = arith.subf %log3A, %broadcast_in_dim3A_13 : vector<1024x1xf32>
    %reduce_sum3A_14 = vector.shape_cast %sub3A : vector<1024x1xf32> to vector<1x1024x1xf32>
    %reduce_sum3A_15 = arith.constant dense<0.000000e+00> : vector<1xf32>
    %reduce_sum3A_16 = vector.multi_reduction <add>, %reduce_sum3A_14, %reduce_sum3A_15 [1, 2] : vector<1x1024x1xf32> to vector<1xf32>
    %reduce_sum3A_17 = vector.shape_cast %reduce_sum3A_16 : vector<1xf32> to vector<1x1x1xf32>
    %reduce_sum3A_18 = vector.extract %reduce_sum3A_17[0, 0, 0] : f32 from vector<1x1x1xf32>
    %eq3A = arith.constant 0 : i32
    %eq3A_19 = arith.cmpi eq, %arg0, %eq3A : i32
    %convert_element_type3A_20 = arith.extui %eq3A_19 : i1 to i32
    %cond3A = arith.constant 0 : i32
    %cond3A_21 = arith.cmpi ne, %convert_element_type3A_20, %cond3A : i32
    scf.if %cond3A_21 {
      %swap3A_32 = arith.constant 0.000000e+00 : f32
      %swap3A_33 = arith.constant 0 : index
      %swap3A_34 = arith.constant 0 : index
      %swap3A_35 = memref.load %arg4[%swap3A_33, %swap3A_34] : memref<1x1xf32, #tpu.memory_space<smem>>
      memref.store %swap3A_32, %arg4[%swap3A_33, %swap3A_34] : memref<1x1xf32, #tpu.memory_space<smem>>
    } else {
    }
    %get3A_22 = arith.constant 0 : index
    %get3A_23 = arith.constant 0 : index
    %get3A_24 = memref.load %arg4[%get3A_22, %get3A_23] : memref<1x1xf32, #tpu.memory_space<smem>>
    %add3A = arith.addf %get3A_24, %reduce_sum3A_18 : f32
    %swap3A = arith.constant 0 : index
    %swap3A_25 = arith.constant 0 : index
    %swap3A_26 = memref.load %arg4[%swap3A, %swap3A_25] : memref<1x1xf32, #tpu.memory_space<smem>>
    memref.store %add3A, %arg4[%swap3A, %swap3A_25] : memref<1x1xf32, #tpu.memory_space<smem>>
    %eq3A_27 = arith.constant 3 : i32
    %eq3A_28 = arith.cmpi eq, %arg0, %eq3A_27 : i32
    %convert_element_type3A_29 = arith.extui %eq3A_28 : i1 to i32
    %cond3A_30 = arith.constant 0 : i32
    %cond3A_31 = arith.cmpi ne, %convert_element_type3A_29, %cond3A_30 : i32
    scf.if %cond3A_31 {
      %get3A_32 = arith.constant 0 : index
      %get3A_33 = arith.constant 0 : index
      %get3A_34 = memref.load %arg4[%get3A_32, %get3A_33] : memref<1x1xf32, #tpu.memory_space<smem>>
      %mul3A_35 = arith.constant 2.44140625E-4 : f32
      %mul3A_36 = arith.mulf %get3A_34, %mul3A_35 : f32
      %swap3A_37 = arith.constant 0 : index
      %swap3A_38 = arith.constant 0 : index
      %swap3A_39 = memref.load %arg4[%swap3A_37, %swap3A_38] : memref<1x1xf32, #tpu.memory_space<smem>>
      memref.store %mul3A_36, %arg4[%swap3A_37, %swap3A_38] : memref<1x1xf32, #tpu.memory_space<smem>>
    } else {
    }
    return
  }
  func.func @transform_0(%arg0: i32) -> (i32, i32) {
    %c0_i32 = arith.constant 0 : i32
    %c0_i32_0 = arith.constant 0 : i32
    return %arg0, %c0_i32 : i32, i32
  }
  func.func @transform_1(%arg0: i32) -> (i32, i32) {
    %c0_i32 = arith.constant 0 : i32
    %c0_i32_0 = arith.constant 0 : i32
    %c0_i32_1 = arith.constant 0 : i32
    return %c0_i32, %c0_i32_0 : i32, i32
  }
  func.func @transform_2(%arg0: i32) -> (i32, i32) {
    %c0_i32 = arith.constant 0 : i32
    %c0_i32_0 = arith.constant 0 : i32
    return %arg0, %c0_i32 : i32, i32
  }
  func.func @transform_3(%arg0: i32) -> (i32, i32) {
    %c0_i32 = arith.constant 0 : i32
    %c0_i32_0 = arith.constant 0 : i32
    %c0_i32_1 = arith.constant 0 : i32
    return %c0_i32, %c0_i32_0 : i32, i32
  }
}

</mosaic_0001>

<sc_bundles>
// kernel: kernel.4.cloned.1.call-start
scs
__scs_entry_jumppad:
0x0: {  	(pc) =	sbr.rel $0x88, $3  }
0x1: {  	(tag) =	ssettag $0x0;
	lr =	simm.s32 $0x1  }
0x2: {  	[smem:$0x3F9D] =	sst lr;
	_ =	strace $0xD0000000  }
0x3: {  	_ = 	snop  }
0x4: {  	_ = 	snop  }
0x5: {  	_ = 	snop  }
0x6: {  	_ = 	snop  }
0x7: {  	_ = 	snop  }
__scs_overlays_trampoline_lowered:
0x8: {  	[smem:$0x3FAC] =	sst s0  }
0x9: {  	[smem:$0x3FAD] =	sst s1  }
0xa: {  	[smem:$0x3FAE] =	sst s2  }
0xb: {  	[smem:$0x3FAF] =	sst s3  }
0xc: {  	[smem:$0x3FB0] =	sst s4  }
0xd: {  	[smem:$0x3FB1] =	sst s5  }
0xe: {  	[smem:$0x3FB2] =	sst s6  }
0xf: {  	[smem:$0x3FB3] =	sst s7  }
0x10: {  	[smem:$0x3FB4] =	sst s8  }
0x11: {  	[smem:$0x3FB5] =	sst s9;
	s0 =	simm.s32 @!p0 $0x0  }
0x12: {  	s1 =	sld [smem:$0x3F9B];
	s0 =	simm.s32 @p0 $0x1  }
0x13: {  	[smem:$0x3FB6] =	sst s0;
	s0 =	simm.s32 @!p1 $0x0  }
0x14: {  	s2 =	sld [smem:$0x3F9A];
	s0 =	simm.s32 @p1 $0x1  }
0x15: {  	[smem:$0x3FB7] =	sst s0;
	s0 =	simm.s32 @!p2 $0x0  }
0x16: {  	s3 =	sld [smem:$0x3FDB];
	s0 =	simm.s32 @p2 $0x1  }
0x17: {  	s4 =	simm.s32 $0x1BF5;
	[smem:$0x3FB9] =	sst s0  }
0x18: {  	s0 =	sld [smem:$0x3F9C];
	_ =	swait.ge [sflag:s4], $0x0  }
0x19: {  	s7 =	sld [smem:$0x3F9D]  }
0x1a: {  	s8 =	sadd.s32 $0xFFFFE003, lr  }
0x1b: {  	s9 =	sadd.s32 $0xFFFFFEF7, lr;
	s5 =	simm.s32 $0xFFFFFFFF;
	p2 =	slt.u32 s8, $0xFFFFF086  }
0x1c: {  	p1 =	slt.u32 s9, $0xF7A;
	s5 =	simm.s32 @!p2 $0x0  }
0x1d: {  	s5 =	simm.s32 @p1 $0x1;
	p0 =	seq.s32 s7, s2  }
0x1e: {  	s7 =	smul.u32 @!p0 $0xF7A, s2;
	p2 =	seq.s32 @!p0 s5, $0x0  }
0x1f: {  	s9 =	smul.u32 $0xF7A, s1;
	s8 =	simm.s32 @!p0 $0x1BF5;
	p2 =	por !p2, p0  }
0x20: {  	[sflag:s8] =	ssyncset.s32 @!p0 $0xFFFFF086;
	s6 =	sadd.s32 @!p0 s3, s7;
	s7 =	simm.s32 @!p0 $0x108  }
0x21: {  	s3 =	sadd.s32 s3, s9;
	s6 =	sadd.s32 @!p0 $0x88, s6;
	s7 =	simm.s32 @p2 $0x1082  }
0x22: {  	[simem:s7], [sflag:s8] =	dma.local @!p0 [hbm:s6], $0xF7A  }
0x23: {  	s9 =	sor.u32 $0xD0000000, s2;
	s6 =	simm.s32 $0x108;
	_ =	swait.ge @!p0 [sflag:s8], $0x0  }
0x24: {  	s3 =	sadd.s32 $0x88, s3;
	s6 =	simm.s32 @!p1 $0x1082;
	[sflag:s4] =	ssyncset.s32 $0xFFFFF086  }
0x25: {  	[simem:s6], [sflag:s4] =	dma.local [hbm:s3], $0xF7A  }
0x26: {  	[smem:$0x3F9D] =	sst s1;
	(tag) =	ssettag s2;
	_ =	strace s9  }
0x27: {  	s1 =	sld [smem:$0x3FAD]  }
0x28: {  	s2 =	sld [smem:$0x3FAE]  }
0x29: {  	s4 =	sld [smem:$0x3FB0]  }
0x2a: {  	p0 =	seq.s32 s5, $0x0;
	s5 =	sld [smem:$0x3FB1]  }
0x2b: {  	s6 =	sld [smem:$0x3FB2]  }
0x2c: {  	s7 =	sld [smem:$0x3FB3]  }
0x2d: {  	s3 =	simm.s32 $0x108;
	s8 =	sld [smem:$0x3FB4]  }
0x2e: {  	s3 =	simm.s32 @!p0 $0x1082;
	s9 =	sld [smem:$0x3FB5]  }
0x2f: {  	lr =	sadd.s32 s0, s3;
	s0 =	sld [smem:$0x3FAC]  }
0x30: {  	s3 =	sld [smem:$0x3FAF]  }
0x31: {  	[smem:$0x3FB8] =	sst s10  }
0x32: {  	s10 =	sld [smem:$0x3FB6];
	_ =	sdelay $0x3  }
0x33: {  	p0 =	seq.s32 s10, $0x1;
	s10 =	sld [smem:$0x3FB8];
	_ =	sdelay $0x3  }
0x34: {  	[smem:$0x3FB8] =	sst s10  }
0x35: {  	s10 =	sld [smem:$0x3FB7];
	_ =	sdelay $0x3  }
0x36: {  	p1 =	seq.s32 s10, $0x1;
	s10 =	sld [smem:$0x3FB8];
	_ =	sdelay $0x3  }
0x37: {  	[smem:$0x3FB8] =	sst s10  }
0x38: {  	s10 =	sld [smem:$0x3FB9]  }
0x39: {  	_ = 	snop;
	(pc) =	sbr.ind lr, $3  }
0x3a: {  	_ = 	snop  }
0x3b: {  	_ = 	snop  }
0x3c: {  	p2 =	seq.s32 s10, $0x1;
	s10 =	sld [smem:$0x3FB8]  }
0x3d: {  	_ =	shalt  }
0x3e: {  	_ =	shalt  }
0x3f: {  	_ =	shalt  }
0x40: {  	_ =	shalt  }
0x41: {  	_ =	shalt  }
0x42: {  	_ =	shalt  }
0x43: {  	_ =	shalt  }
0x44: {  	_ =	shalt  }
0x45: {  	_ =	shalt  }
0x46: {  	_ =	shalt  }
0x47: {  	_ =	shalt  }
0x48: {  	_ =	shalt  }
0x49: {  	_ =	shalt  }
0x4a: {  	_ =	shalt  }
0x4b: {  	_ =	shalt  }
0x4c: {  	_ =	shalt  }
0x4d: {  	_ =	shalt  }
0x4e: {  	_ =	shalt  }
0x4f: {  	_ =	shalt  }
0x50: {  	_ =	shalt  }
0x51: {  	_ =	shalt  }
0x52: {  	_ =	shalt  }
0x53: {  	_ =	shalt  }
0x54: {  	_ =	shalt  }
0x55: {  	_ =	shalt  }
0x56: {  	_ =	shalt  }
0x57: {  	_ =	shalt  }
0x58: {  	_ =	shalt  }
0x59: {  	_ =	shalt  }
0x5a: {  	_ =	shalt  }
0x5b: {  	_ =	shalt  }
0x5c: {  	_ =	shalt  }
0x5d: {  	_ =	shalt  }
0x5e: {  	_ =	shalt  }
0x5f: {  	_ =	shalt  }
0x60: {  	_ =	shalt  }
0x61: {  	_ =	shalt  }
0x62: {  	_ =	shalt  }
0x63: {  	_ =	shalt  }
0x64: {  	_ =	shalt  }
0x65: {  	_ =	shalt  }
0x66: {  	_ =	shalt  }
0x67: {  	_ =	shalt  }
0x68: {  	_ =	shalt  }
0x69: {  	_ =	shalt  }
0x6a: {  	_ =	shalt  }
0x6b: {  	_ =	shalt  }
0x6c: {  	_ =	shalt  }
0x6d: {  	_ =	shalt  }
0x6e: {  	_ =	shalt  }
0x6f: {  	_ =	shalt  }
0x70: {  	_ =	shalt  }
0x71: {  	_ =	shalt  }
0x72: {  	_ =	shalt  }
0x73: {  	_ =	shalt  }
0x74: {  	_ =	shalt  }
0x75: {  	_ =	shalt  }
0x76: {  	_ =	shalt  }
0x77: {  	_ =	shalt  }
0x78: {  	_ =	shalt  }
0x79: {  	_ =	shalt  }
0x7a: {  	_ =	shalt  }
0x7b: {  	_ =	shalt  }
0x7c: {  	_ =	shalt  }
0x7d: {  	_ =	shalt  }
0x7e: {  	_ =	shalt  }
0x7f: {  	_ =	shalt  }
0x80: {  	_ =	shalt  }
0x81: {  	_ =	shalt  }
0x82: {  	_ =	shalt  }
0x83: {  	_ =	shalt  }
0x84: {  	_ =	shalt  }
0x85: {  	_ =	shalt  }
0x86: {  	_ =	shalt  }
0x87: {  	_ =	shalt  }
.Lfunc_end0:
.L_simem_size_0:
called_computation_lowered:
.L_overlay_start_0:
0x88: {  	s2 =	sld [smem:$0x3FD9]  }
0x89: {  	s3 =	sld [smem:$0x3FFE];
	_ =	sdelay $0x1  }
0x8a: {  	s1 =	srdreg.scid  }
0x8b: {  	s0 =	sand.u32 $0x1, s1  }
0x8c: {  	s17 =	sshll.u32 s0, $0xA;
	s2 =	sadd.s32 s3, s2  }
0x8d: {  	s2 =	sadd.s32 s2, s17  }
0x8e: {  	[smem:$0x3FC4] =	sst s2  }
0x8f: {  	_ = 	snop  }
0x90: {  	s2 =	sld [smem:$0x3FC9]  }
0x91: {  	s18 =	sld [smem:$0x3FC8];
	(tm) =	ssettm $0x1  }
0x92: {  	s4 =	sld [smem:$0x3FFB];
	_ =	sdelay $0x3  }
0x93: {  	_ =	strace s4  }
0x94: {  	s4 =	sld [smem:$0x3FFC];
	_ =	sdelay $0x3  }
0x95: {  	_ =	strace s4  }
0x96: {  	s4 =	sld [smem:$0x3FFD];
	_ =	sdelay $0x3  }
0x97: {  	_ =	strace s4  }
0x98: {  	_ =	strace $0x8FFFFFFF  }
0x99: {  	s19 =	sld [smem:$0x3FDB];
	_ =	sdelay $0x1  }
0x9a: {  	s5 =	simm.s32 $_scs_section_size  }
0x9b: {  	s6 =	simm.s32 $_size__tile_overlayer_lowered;
	s7 =	simm.s32 $_tile_overlayer_lowered  }
0x9c: {  	s22 =	simm.s32 $0x1BFF;
	s21 =	sshll.u32 s7, $0x1;
	s4 =	sadd.s32 s5, s19  }
0x9d: {  	s8 =	simm.s32 $0x0;
	s20 =	sshll.u32 s6, $0x1;
	s6 =	sadd.s32 s21, s4  }
0x9e: {  	[timem:s8], [sflag:s22] =	dma.local [hbm:s6], s20  }
0x9f: {  	_ =	swait.ge [sflag:s22], s20  }
0xa0: {  	s5 =	ssub.s32 $0x0, s20;
	[sflag:s22] =	ssyncset.done $0x0  }
0xa1: {  	[sflag:s22] =	ssyncadd.s32 s5;
	_ =	sdelay $0x1  }
0xa2: {  	s23 =	simm.s32 $0x1B8B  }
0xa3: {  	_ =	swait.ge [sflag:s23], $0x1  }
0xa4: {  	[sflag:s23] =	ssyncset.done $0x0  }
0xa5: {  	s25 =	simm.s32 $0x1B8E;
	s24 =	sld [smem:$0x3FFE];
	[sflag:s23] =	ssyncadd.s32 $0xFFFFFFFF  }
0xa6: {  	s26 =	simm.s32 $execute0_lowered;
	[smem:$0x3FD2] =	sst s25  }
0xa7: {  	s6 =	sshll.u32 s26, $0x1;
	_ =	strace $0x80000046;
	[dreg:$0x1] =	wrdreg $0xFFFFFFFF  }
0xa8: {  	s28 =	simm.s32 $_size_execute0_lowered;
	s4 =	sadd.s32 s4, s6;
	[dreg:$0x0] =	wrdreg $0x0  }
0xa9: {  	s6 =	sshll.u32 s28, $0x1;
	[dreg:$0x2] =	wrdreg s4  }
0xaa: {  	[dreg:$0x3] =	wrdreg s6  }
0xab: {  	[dreg:$0x4] =	wrdreg $0xC0  }
0xac: {  	_ =	task [dreg:s8], $0x5FFFF  }
0xad: {  	[dreg:$0x1] =	wrdreg $0xFFFFFFFF  }
0xae: {  	[dreg:$0x0] =	wrdreg $0x60  }
0xaf: {  	[dreg:$0x2] =	wrdreg s2  }
0xb0: {  	[dreg:$0x3] =	wrdreg s18  }
0xb1: {  	[dreg:$0x4] =	wrdreg s24  }
0xb2: {  	[dreg:$0x5] =	wrdreg $0x9  }
0xb3: {  	_ =	task.clear_ibuf [dreg:s8], $0x6FFFF;
	_ =	strace $0x90000046  }
0xb4: {  	s29 =	simm.s32 $0x9;
	_ =	strace $0x80000048  }
0xb5: {  	_ =	swait.ge [sflag:s29], $0x1  }
0xb6: {  	[sflag:s29] =	ssyncadd.s32 $0xFFFFFFFF  }
0xb7: {  	_ =	strace $0x90000048  }
0xb8: {  	_ =	sfence  }
0xb9: {  	s30 =	sld [smem:$0x0];
	_ =	sdelay $0x2  }
0xba: {  	s31 =	sshll.u32 s1, $0xD;
	s1 =	sshrl.u32 s1, $0x2  }
0xbb: {  	s3 =	sand.u32 $0x4000, s31;
	s1 =	sadd.s32 s1, s30  }
0xbc: {  	s0 =	sor.u32 s3, s0;
	s1 =	sshll.u32 s1, $0x11  }
0xbd: {  	s0 =	sor.u32 s1, s0  }
0xbe: {  	s0 =	sadd.s32 $0x8F2B, s0  }
0xbf: {  	[sflag:s0] =	ssyncadd.remote.s32 $0x1  }
0xc0: {  	_ =	sfence.sel $0xFFFF  }
0xc1: {  	[dreg:$0x0] =	wrdreg $0xFFFFFFFF;
	(pc) =	sbr.abs _section_cstart, $3  }
0xc2: {  	[dreg:$0x1] =	wrdreg $0xFFFFFFFF  }
0xc3: {  	_ =	task.clear_ibuf [dreg:s8], $0x2FFFF;
	_ =	strace $0x9FFFFFFF  }
0xc4: {  	(tm) =	ssettm $0x7FFFFFFF  }
0xc5: {  	_ =	shalt  }
tec
execute0_lowered:
.L_overlay_start_1:
0x0: {  	(tag) =	ssettag $0x1  }
0x1: {  	s0 =	rddreg [dreg:$0x0]  }
0x2: {  	s1 =	rddreg [dreg:$0x1]  }
0x3: {  	s5 =	rddreg [dreg:$0x2];
	s3 =	srdreg.scid  }
0x4: {  	s2 =	simm.s32 $0x0;
	s4 =	stileid.u32;
	s6 =	sand.u32 $0x1, s3  }
0x5: {  	[smem:$0x7FF] =	sst s2;
	s4 =	sshll.u32 s4, $0x8;
	s7 =	sshll.u32 s6, $0x7  }
0x6: {  	s3 =	sadd.s32 $0xE00, s5;
	_ =	strace $0x80000047;
	s7 =	sor.u32 s7, s4  }
0x7: {  	s6 =	ssub.s32 $0x2, s6;
	s8 =	sshll.u32 s7, $0x4;
	s7 =	sshrl.u32 s7, $0x3  }
0x8: {  	s4 =	sadd.s32 $0x187A00, s5;
	s26 =	sshrl.u32 s6, $0x1;
	s0 =	sadd.s32 s0, s7  }
0x9: {  	s6 =	ssub.s32 s6, s26;
	s28 =	sadd.s32 s1, s7;
	[dreg:$0xd] =	wrdreg s0  }
0xa: {  	s5 =	sadd.s32 s8, s5;
	s31 =	smax.u32 s6, $0x1;
	[dreg:$0xe] =	wrdreg s28  }
0xb: {  	s29 =	sadd.s32 $0x31E600, s5;
	[dreg:$0x11] =	wrdreg s31  }
0xc: {  	s30 =	sadd.s32 $0x30E600, s5;
	[dreg:$0xf] =	wrdreg s29  }
0xd: {  	s1 =	simm.s32 $0x0;
	s5 =	simm.s32 $0x3;
	[dreg:$0x10] =	wrdreg s30  }
.LBB2_1:
0xe: {  	[dreg:$0x12] =	wrdreg s1  }
0xf: {  	s0 =	rddreg [dreg:$0xd]  }
0x10: {  	[tilespmem:s2], [sflag:$0x3] =	stream.linear.gather [hbm4b:s0+s2], $0x80, $0x38;
	[tilespmem:$0x8200] =	vst v63  }
0x11: {  	_ =	swait.ge [sflag:s5], $0x80  }
0x12: {  	[sflag:s5] =	ssyncset.done $0x0  }
0x13: {  	s24 =	simm.s32 $0x100;
	s25 =	rddreg [dreg:$0xe];
	[sflag:s5] =	ssyncadd.s32 $0xFFFFFF80  }
0x14: {  	[tilespmem:s24], [sflag:$0x3] =	stream.linear.gather [hbm4b:s25+s2], $0x80, $0x38;
	[tilespmem:$0x8200] =	vst v63  }
0x15: {  	_ =	swait.ge [sflag:s5], $0x80  }
0x16: {  	[sflag:s5] =	ssyncset.done $0x0  }
0x17: {  	[sflag:s5] =	ssyncadd.s32 $0xFFFFFF80  }
0x18: {  	v0 =	vld [tilespmem:s2+$0x0]  }
0x19: {  	v2 =	vld [tilespmem:s24+$0x0];
	_ =	sdelay $0x3  }
0x1a: {  	v1 =	vshll.u32 v0, $0x4  }
0x1b: {  	v63 =	vshll.u32 v2, $0x4;
	(v2sf) =	vpush v1, $0x0  }
0x1c: {  	(v2sf) =	vpush v63, $0x0  }
0x1d: {  	(v2sf) =	vpush v1, $0x1;
	_ =	sdelay $0x1  }
0x1e: {  	(v2sf) =	vpush v63, $0x1;
	_ =	sdelay $0x3  }
0x1f: {  	(v2sf) =	vpush v1, $0x2;
	_ =	sdelay $0x1  }
0x20: {  	(v2sf) =	vpush v63, $0x2  }
0x21: {  	s17 =	simm.s32 $0x2000;
	(v2sf) =	vpush v1, $0x3  }
0x22: {  	s16 =	simm.s32 $0x0;
	s6 =	simm.s32 $0x4200;
	s1 =	simm.s32 $0x680  }
0x23: {  	s7 =	simm.s32 $0x200;
	s9 =	simm.s32 $0x400;
	s10 =	simm.s32 $0x380  }
0x24: {  	s29 =	simm.s32 $0x280;
	s13 =	simm.s32 $0x300;
	s18 =	simm.s32 $0x4300  }
0x25: {  	s23 =	simm.s32 $0x4400;
	s0 =	simm.s32 $0x4700;
	s8 =	spop (v2sf);
	(v2sf) =	vpush v63, $0x3  }
0x26: {  	s5 =	simm.s32 $0x480;
	s8 =	sand.u32 $0x1FFFFFF0, s8;
	s11 =	spop (v2sf)  }
0x27: {  	(v2sf) =	vpush v1, $0x4;
	s8 =	sadd.s32 s3, s8;
	s26 =	sand.u32 $0x1FFFFFF0, s11;
	s28 =	spop (v2sf)  }
0x28: {  	(v2sf) =	vpush v63, $0x4;
	[tilespmem:s7], [sflag:$0x1] =	stream.linear.gather [hbm4b:s8+s2], $0x80, $0x38;
	[tilespmem:$0x8200] =	vst v63  }
0x29: {  	s8 =	sadd.s32 s4, s26;
	s11 =	sand.u32 $0x1FFFFFF0, s28;
	s12 =	spop (v2sf)  }
0x2a: {  	(v2sf) =	vpush v1, $0x5;
	[tilespmem:s6], [sflag:$0x2] =	stream.linear.gather [hbm4b:s8+s2], $0x80, $0x38;
	[tilespmem:$0x8200] =	vst v63  }
0x2b: {  	s7 =	simm.s32 $0x4380;
	s30 =	sadd.s32 s3, s11;
	s31 =	sand.u32 $0x1FFFFFF0, s12;
	(v2sf) =	vpush v63, $0x5  }
0x2c: {  	[tilespmem:s29], [sflag:$0x1] =	stream.linear.gather [hbm4b:s30+s2], $0x80, $0x38;
	[tilespmem:$0x8200] =	vst v63  }
0x2d: {  	s12 =	spop (v2sf);
	s8 =	simm.s32 $0x4280;
	s11 =	sadd.s32 s4, s31;
	(v2sf) =	vpush v1, $0x6  }
0x2e: {  	[tilespmem:s8], [sflag:$0x2] =	stream.linear.gather [hbm4b:s11+s2], $0x80, $0x38;
	[tilespmem:$0x8200] =	vst v63  }
0x2f: {  	s14 =	spop (v2sf);
	s31 =	simm.s32 $0x500;
	s8 =	sand.u32 $0x1FFFFFF0, s12  }
0x30: {  	s15 =	spop (v2sf);
	s11 =	sand.u32 $0x1FFFFFF0, s14;
	s8 =	sadd.s32 s3, s8  }
0x31: {  	(v2sf) =	vpush v63, $0x6;
	[tilespmem:s13], [sflag:$0x1] =	stream.linear.gather [hbm4b:s8+s2], $0x80, $0x38;
	[tilespmem:$0x8200] =	vst v63  }
0x32: {  	s20 =	sand.u32 $0x1FFFFFF0, s15;
	s29 =	simm.s32 $0x4480;
	s19 =	sadd.s32 s4, s11  }
0x33: {  	[tilespmem:s18], [sflag:$0x2] =	stream.linear.gather [hbm4b:s19+s2], $0x80, $0x38;
	[tilespmem:$0x8200] =	vst v63  }
0x34: {  	s22 =	sadd.s32 s3, s20;
	s20 =	simm.s32 $0x4500;
	s21 =	spop (v2sf)  }
0x35: {  	(v2sf) =	vpush v1, $0x7;
	[tilespmem:s10], [sflag:$0x1] =	stream.linear.gather [hbm4b:s22+s2], $0x80, $0x38;
	[tilespmem:$0x8200] =	vst v63  }
0x36: {  	s12 =	simm.s32 $0x4800;
	s6 =	sand.u32 $0x1FFFFFF0, s21;
	s24 =	spop (v2sf)  }
0x37: {  	s13 =	simm.s32 $0x880;
	(v2sf) =	vpush v63, $0x7;
	s6 =	sadd.s32 s4, s6;
	s25 =	spop (v2sf)  }
0x38: {  	(v2sf) =	vpush v1, $0x8;
	[tilespmem:s7], [sflag:$0x2] =	stream.linear.gather [hbm4b:s6+s2], $0x80, $0x38;
	[tilespmem:$0x8200] =	vst v63  }
0x39: {  	s10 =	sand.u32 $0x1FFFFFF0, s24;
	s28 =	sand.u32 $0x1FFFFFF0, s25;
	s30 =	spop (v2sf)  }
0x3a: {  	s26 =	sadd.s32 s3, s10;
	(v2sf) =	vpush v63, $0x8;
	s7 =	sadd.s32 s4, s28;
	s10 =	spop (v2sf)  }
0x3b: {  	(v2sf) =	vpush v1, $0x9;
	[tilespmem:s9], [sflag:$0x1] =	stream.linear.gather [hbm4b:s26+s2], $0x80, $0x38;
	[tilespmem:$0x8200] =	vst v63  }
0x3c: {  	s9 =	sand.u32 $0x1FFFFFF0, s30;
	s11 =	spop (v2sf);
	s26 =	simm.s32 $0x4580  }
0x3d: {  	(v2sf) =	vpush v63, $0x9;
	[tilespmem:s23], [sflag:$0x2] =	stream.linear.gather [hbm4b:s7+s2], $0x80, $0x38;
	[tilespmem:$0x8200] =	vst v63  }
0x3e: {  	s8 =	sadd.s32 s3, s9;
	s9 =	sand.u32 $0x1FFFFFF0, s10;
	s15 =	sand.u32 $0x1FFFFFF0, s11;
	(v2sf) =	vpush v1, $0xA  }
0x3f: {  	[tilespmem:s5], [sflag:$0x1] =	stream.linear.gather [hbm4b:s8+s2], $0x80, $0x38;
	[tilespmem:$0x8200] =	vst v63  }
0x40: {  	s10 =	simm.s32 $0x4880;
	s18 =	spop (v2sf);
	s14 =	sadd.s32 s4, s9;
	(v2sf) =	vpush v63, $0xA  }
0x41: {  	[tilespmem:s29], [sflag:$0x2] =	stream.linear.gather [hbm4b:s14+s2], $0x80, $0x38;
	[tilespmem:$0x8200] =	vst v63  }
0x42: {  	s11 =	simm.s32 $0x4680;
	s19 =	sadd.s32 s3, s15;
	s6 =	sand.u32 $0x1FFFFFF0, s18  }
0x43: {  	[tilespmem:s31], [sflag:$0x1] =	stream.linear.gather [hbm4b:s19+s2], $0x80, $0x38;
	[tilespmem:$0x8200] =	vst v63  }
0x44: {  	s23 =	simm.s32 $0x580;
	s6 =	sadd.s32 s4, s6;
	s21 =	spop (v2sf)  }
0x45: {  	[tilespmem:s20], [sflag:$0x2] =	stream.linear.gather [hbm4b:s6+s2], $0x80, $0x38;
	[tilespmem:$0x8200] =	vst v63  }
0x46: {  	s15 =	simm.s32 $0x700;
	(v2sf) =	vpush v1, $0xB;
	s8 =	sand.u32 $0x1FFFFFF0, s21;
	s22 =	spop (v2sf)  }
0x47: {  	s5 =	simm.s32 $0x4780;
	s24 =	sadd.s32 s3, s8;
	s28 =	spop (v2sf)  }
0x48: {  	(v2sf) =	vpush v63, $0xB;
	[tilespmem:s23], [sflag:$0x1] =	stream.linear.gather [hbm4b:s24+s2], $0x80, $0x38;
	[tilespmem:$0x8200] =	vst v63  }
0x49: {  	s29 =	simm.s32 $0x600;
	s25 =	sand.u32 $0x1FFFFFF0, s22;
	s30 =	spop (v2sf)  }
0x4a: {  	s8 =	sadd.s32 s4, s25;
	s7 =	sand.u32 $0x1FFFFFF0, s28;
	s31 =	spop (v2sf)  }
0x4b: {  	(v2sf) =	vpush v1, $0xC;
	[tilespmem:s26], [sflag:$0x2] =	stream.linear.gather [hbm4b:s8+s2], $0x80, $0x38;
	[tilespmem:$0x8200] =	vst v63  }
0x4c: {  	s7 =	sadd.s32 s3, s7;
	s8 =	sand.u32 $0x1FFFFFF0, s30;
	s14 =	spop (v2sf)  }
0x4d: {  	(v2sf) =	vpush v63, $0xC;
	s9 =	sand.u32 $0x1FFFFFF0, s31;
	s26 =	simm.s32 $0x780;
	s18 =	spop (v2sf)  }
0x4e: {  	[tilespmem:s29], [sflag:$0x1] =	stream.linear.gather [hbm4b:s7+s2], $0x80, $0x38;
	[tilespmem:$0x8200] =	vst v63  }
0x4f: {  	s8 =	sadd.s32 s4, s8;
	s7 =	simm.s32 $0x4600;
	s19 =	spop (v2sf)  }
0x50: {  	[tilespmem:s7], [sflag:$0x2] =	stream.linear.gather [hbm4b:s8+s2], $0x80, $0x38;
	[tilespmem:$0x8200] =	vst v63  }
0x51: {  	s21 =	sand.u32 $0x1FFFFFF0, s19;
	s8 =	sadd.s32 s3, s9;
	s7 =	sand.u32 $0x1FFFFFF0, s14  }
0x52: {  	[tilespmem:s1], [sflag:$0x1] =	stream.linear.gather [hbm4b:s8+s2], $0x80, $0x38;
	[tilespmem:$0x8200] =	vst v63  }
0x53: {  	s23 =	sadd.s32 s4, s21;
	s7 =	sadd.s32 s4, s7;
	s8 =	sand.u32 $0x1FFFFFF0, s18  }
0x54: {  	[tilespmem:s11], [sflag:$0x2] =	stream.linear.gather [hbm4b:s7+s2], $0x80, $0x38;
	[tilespmem:$0x8200] =	vst v63  }
0x55: {  	s21 =	simm.s32 $0x10;
	s20 =	sadd.s32 s3, s8;
	s22 =	spop (v2sf)  }
0x56: {  	[tilespmem:s15], [sflag:$0x1] =	stream.linear.gather [hbm4b:s20+s2], $0x80, $0x38;
	[tilespmem:$0x8200] =	vst v63  }
0x57: {  	s24 =	sand.u32 $0x1FFFFFF0, s22;
	s25 =	spop (v2sf);
	s22 =	simm.s32 $0x110  }
0x58: {  	(v2sf) =	vpush v1, $0xD;
	[tilespmem:s0], [sflag:$0x2] =	stream.linear.gather [hbm4b:s23+s2], $0x80, $0x38;
	[tilespmem:$0x8200] =	vst v63  }
0x59: {  	(v2sf) =	vpush v63, $0xD;
	s28 =	sadd.s32 s3, s24;
	s29 =	sand.u32 $0x1FFFFFF0, s25;
	s25 =	simm.s32 $0x800  }
0x5a: {  	(v2sf) =	vpush v1, $0xE;
	s24 =	simm.s32 $0x900;
	s23 =	simm.s32 $0x4900;
	s31 =	spop (v2sf)  }
0x5b: {  	(v2sf) =	vpush v63, $0xE;
	[tilespmem:s26], [sflag:$0x1] =	stream.linear.gather [hbm4b:s28+s2], $0x80, $0x38;
	[tilespmem:$0x8200] =	vst v63  }
0x5c: {  	s30 =	sadd.s32 s4, s29;
	(v2sf) =	vpush v1, $0xF;
	s0 =	sand.u32 $0x1FFFFFF0, s31;
	s1 =	spop (v2sf)  }
0x5d: {  	(v2sf) =	vpush v63, $0xF;
	[tilespmem:s5], [sflag:$0x2] =	stream.linear.gather [hbm4b:s30+s2], $0x80, $0x38;
	[tilespmem:$0x8200] =	vst v63  }
.LBB2_2:
0x5e: {  	_ =	sdelay $0x4  }
0x5f: {  	s0 =	sadd.s32 s3, s0;
	s1 =	sand.u32 $0x1FFFFFF0, s1  }
0x60: {  	[tilespmem:s25], [sflag:$0x1] =	stream.linear.gather [hbm4b:s0+s2], $0x80, $0x38;
	[tilespmem:$0x8200] =	vst v63  }
0x61: {  	s6 =	sadd.s32 s4, s1  }
0x62: {  	[tilespmem:s12], [sflag:$0x2] =	stream.linear.gather [hbm4b:s6+s2], $0x80, $0x38;
	[tilespmem:$0x8200] =	vst v63  }
0x63: {  	s5 =	spop (v2sf)  }
0x64: {  	s7 =	sand.u32 $0x1FFFFFF0, s5;
	s8 =	spop (v2sf)  }
0x65: {  	s9 =	sadd.s32 s3, s7;
	s11 =	sand.u32 $0x1FFFFFF0, s8;
	s12 =	spop (v2sf)  }
0x66: {  	[tilespmem:s13], [sflag:$0x1] =	stream.linear.gather [hbm4b:s9+s2], $0x80, $0x38;
	[tilespmem:$0x8200] =	vst v63  }
0x67: {  	s13 =	sadd.s32 s4, s11;
	s14 =	sand.u32 $0x1FFFFFF0, s12;
	s15 =	spop (v2sf)  }
0x68: {  	[tilespmem:s10], [sflag:$0x2] =	stream.linear.gather [hbm4b:s13+s2], $0x80, $0x38;
	[tilespmem:$0x8200] =	vst v63  }
0x69: {  	s18 =	sadd.s32 s3, s14;
	s19 =	sand.u32 $0x1FFFFFF0, s15;
	s20 =	spop (v2sf)  }
0x6a: {  	[tilespmem:s24], [sflag:$0x1] =	stream.linear.gather [hbm4b:s18+s2], $0x80, $0x38;
	[tilespmem:$0x8200] =	vst v63  }
0x6b: {  	s25 =	sadd.s32 s4, s19;
	s26 =	sand.u32 $0x1FFFFFF0, s20;
	s28 =	spop (v2sf)  }
0x6c: {  	[tilespmem:s23], [sflag:$0x2] =	stream.linear.gather [hbm4b:s25+s2], $0x80, $0x38;
	[tilespmem:$0x8200] =	vst v63  }
0x6d: {  	s29 =	sadd.s32 $0x980, s16;
	s1 =	sadd.s32 s3, s26;
	s5 =	sand.u32 $0x1FFFFFF0, s28  }
0x6e: {  	[tilespmem:s29], [sflag:$0x1] =	stream.linear.gather [hbm4b:s1+s2], $0x80, $0x38;
	[tilespmem:$0x8200] =	vst v63  }
0x6f: {  	s30 =	sadd.s32 $0x4980, s16;
	s31 =	sadd.s32 s4, s5  }
0x70: {  	[tilespmem:s30], [sflag:$0x2] =	stream.linear.gather [hbm4b:s31+s2], $0x80, $0x38;
	[tilespmem:$0x8200] =	vst v63  }
0x71: {  	v0 =	vld [tilespmem:s21+$0x0]  }
0x72: {  	v2 =	vld [tilespmem:s22+$0x0];
	_ =	sdelay $0x3  }
0x73: {  	v1 =	vshll.u32 v0, $0x4  }
0x74: {  	v63 =	vshll.u32 v2, $0x4;
	(v2sf) =	vpush v1, $0x0  }
0x75: {  	s1 =	smov.u32 s17;
	(v2sf) =	vpush v63, $0x0  }
0x76: {  	s16 =	sshra.s32 s1, $0x2;
	(v2sf) =	vpush v1, $0x1  }
0x77: {  	p0 =	sne.s32 s17, $0xE000;
	s17 =	sadd.s32 $0x2000, s17;
	s28 =	sadd.s32 $0x4200, s16  }
0x78: {  	s14 =	sadd.s32 $0x480, s16;
	s0 =	sadd.s32 $0x680, s16;
	s30 =	sadd.s32 $0x200, s16;
	(v2sf) =	vpush v63, $0x1  }
0x79: {  	s11 =	sadd.s32 $0x400, s16;
	s5 =	sadd.s32 $0x4700, s16;
	s15 =	sadd.s32 $0x380, s16  }
0x7a: {  	s10 =	sadd.s32 $0x4380, s16;
	s6 =	sadd.s32 $0x4800, s16;
	s18 =	sadd.s32 $0x300, s16;
	(v2sf) =	vpush v1, $0x2  }
0x7b: {  	s1 =	sadd.s32 $0x4400, s16;
	s13 =	sadd.s32 $0x880, s16;
	s29 =	sadd.s32 $0x4280, s16  }
0x7c: {  	s9 =	sadd.s32 $0x4480, s16;
	s8 =	sadd.s32 $0x500, s16;
	s7 =	sadd.s32 $0x4780, s16;
	(v2sf) =	vpush v63, $0x2  }
0x7d: {  	s12 =	sadd.s32 $0x700, s16;
	s19 =	sadd.s32 $0x4600, s16;
	[dreg:$0x6] =	wrdreg s0;
	(v2sf) =	vpush v1, $0x3  }
0x7e: {  	s25 =	sadd.s32 $0x800, s16;
	s31 =	sadd.s32 $0x280, s16;
	[dreg:$0x4] =	wrdreg s5  }
0x7f: {  	s24 =	sadd.s32 $0x900, s16;
	s23 =	sadd.s32 $0x4900, s16;
	[dreg:$0x9] =	wrdreg s6;
	(v2sf) =	vpush v63, $0x3  }
0x80: {  	s20 =	sadd.s32 $0x780, s16;
	s0 =	sadd.s32 $0x4300, s16;
	[dreg:$0x5] =	wrdreg s7  }
0x81: {  	s5 =	sadd.s32 $0x4880, s16;
	s7 =	sadd.s32 $0x4500, s16;
	[dreg:$0x7] =	wrdreg s12  }
0x82: {  	s6 =	sadd.s32 $0x4680, s16;
	[dreg:$0xb] =	wrdreg s19;
	s12 =	sadd.s32 $0x4580, s16  }
0x83: {  	s19 =	sadd.s32 $0x600, s16;
	[dreg:$0xa] =	wrdreg s20;
	(v2sf) =	vpush v1, $0x4;
	s26 =	spop (v2sf)  }
0x84: {  	[dreg:$0xc] =	wrdreg s19;
	s26 =	sand.u32 $0x1FFFFFF0, s26;
	s20 =	spop (v2sf)  }
0x85: {  	(v2sf) =	vpush v63, $0x4;
	s26 =	sadd.s32 s3, s26;
	s19 =	sand.u32 $0x1FFFFFF0, s20;
	s20 =	spop (v2sf)  }
0x86: {  	[tilespmem:s30], [sflag:$0x1] =	stream.linear.gather [hbm4b:s26+s2], $0x80, $0x38;
	[tilespmem:$0x8200] =	vst v63  }
0x87: {  	(v2sf) =	vpush v1, $0x5;
	s19 =	sadd.s32 s4, s19;
	s20 =	sand.u32 $0x1FFFFFF0, s20;
	s30 =	spop (v2sf)  }
0x88: {  	(v2sf) =	vpush v63, $0x5;
	[tilespmem:s28], [sflag:$0x2] =	stream.linear.gather [hbm4b:s19+s2], $0x80, $0x38;
	[tilespmem:$0x8200] =	vst v63  }
0x89: {  	s20 =	sadd.s32 s3, s20;
	s28 =	sand.u32 $0x1FFFFFF0, s30;
	s30 =	spop (v2sf)  }
0x8a: {  	(v2sf) =	vpush v1, $0x6;
	[tilespmem:s31], [sflag:$0x1] =	stream.linear.gather [hbm4b:s20+s2], $0x80, $0x38;
	[tilespmem:$0x8200] =	vst v63  }
0x8b: {  	s21 =	sadd.s32 $0x10, s21;
	s20 =	sadd.s32 s4, s28;
	s28 =	spop (v2sf)  }
0x8c: {  	s22 =	sadd.s32 $0x10, s22;
	s26 =	sand.u32 $0x1FFFFFF0, s30;
	(v2sf) =	vpush v63, $0x6;
	s31 =	spop (v2sf)  }
0x8d: {  	[tilespmem:s29], [sflag:$0x2] =	stream.linear.gather [hbm4b:s20+s2], $0x80, $0x38;
	[tilespmem:$0x8200] =	vst v63  }
0x8e: {  	s30 =	sand.u32 $0x1FFFFFF0, s28;
	(v2sf) =	vpush v1, $0x7;
	s29 =	sadd.s32 s3, s26;
	s28 =	spop (v2sf)  }
0x8f: {  	(v2sf) =	vpush v63, $0x7;
	[tilespmem:s18], [sflag:$0x1] =	stream.linear.gather [hbm4b:s29+s2], $0x80, $0x38;
	[tilespmem:$0x8200] =	vst v63  }
0x90: {  	[dreg:$0x8] =	wrdreg s6;
	s20 =	sadd.s32 s4, s30;
	s26 =	sand.u32 $0x1FFFFFF0, s31  }
0x91: {  	[tilespmem:s0], [sflag:$0x2] =	stream.linear.gather [hbm4b:s20+s2], $0x80, $0x38;
	[tilespmem:$0x8200] =	vst v63  }
0x92: {  	s30 =	sand.u32 $0x1FFFFFF0, s28;
	s31 =	spop (v2sf);
	s29 =	sadd.s32 s3, s26  }
0x93: {  	(v2sf) =	vpush v1, $0x8;
	[tilespmem:s15], [sflag:$0x1] =	stream.linear.gather [hbm4b:s29+s2], $0x80, $0x38;
	[tilespmem:$0x8200] =	vst v63  }
0x94: {  	s6 =	sadd.s32 $0x580, s16;
	s20 =	sadd.s32 s4, s30;
	s28 =	spop (v2sf)  }
0x95: {  	[tilespmem:s10], [sflag:$0x2] =	stream.linear.gather [hbm4b:s20+s2], $0x80, $0x38;
	[tilespmem:$0x8200] =	vst v63  }
0x96: {  	s26 =	sand.u32 $0x1FFFFFF0, s31;
	s30 =	sand.u32 $0x1FFFFFF0, s28;
	s31 =	spop (v2sf)  }
0x97: {  	s29 =	sadd.s32 s3, s26;
	(v2sf) =	vpush v63, $0x8;
	s18 =	sadd.s32 s4, s30;
	s20 =	spop (v2sf)  }
0x98: {  	(v2sf) =	vpush v1, $0x9;
	[tilespmem:s11], [sflag:$0x1] =	stream.linear.gather [hbm4b:s29+s2], $0x80, $0x38;
	[tilespmem:$0x8200] =	vst v63  }
0x99: {  	s19 =	sand.u32 $0x1FFFFFF0, s31;
	s28 =	sand.u32 $0x1FFFFFF0, s20;
	s29 =	spop (v2sf)  }
0x9a: {  	(v2sf) =	vpush v63, $0x9;
	[tilespmem:s1], [sflag:$0x2] =	stream.linear.gather [hbm4b:s18+s2], $0x80, $0x38;
	[tilespmem:$0x8200] =	vst v63  }
0x9b: {  	s26 =	sadd.s32 s3, s19;
	s30 =	sadd.s32 s4, s28;
	s1 =	spop (v2sf)  }
0x9c: {  	[tilespmem:s14], [sflag:$0x1] =	stream.linear.gather [hbm4b:s26+s2], $0x80, $0x38;
	[tilespmem:$0x8200] =	vst v63  }
0x9d: {  	s31 =	sand.u32 $0x1FFFFFF0, s29;
	s14 =	sand.u32 $0x1FFFFFF0, s1;
	s15 =	spop (v2sf)  }
0x9e: {  	(v2sf) =	vpush v1, $0xA;
	s10 =	sadd.s32 s3, s31;
	s18 =	sadd.s32 s4, s14;
	s20 =	spop (v2sf)  }
0x9f: {  	[tilespmem:s9], [sflag:$0x2] =	stream.linear.gather [hbm4b:s30+s2], $0x80, $0x38;
	[tilespmem:$0x8200] =	vst v63  }
0xa0: {  	(v2sf) =	vpush v63, $0xA;
	s19 =	sand.u32 $0x1FFFFFF0, s15;
	s15 =	rddreg [dreg:$0xb];
	s28 =	sand.u32 $0x1FFFFFF0, s20  }
0xa1: {  	[tilespmem:s8], [sflag:$0x1] =	stream.linear.gather [hbm4b:s10+s2], $0x80, $0x38;
	[tilespmem:$0x8200] =	vst v63  }
0xa2: {  	(v2sf) =	vpush v1, $0xB;
	s26 =	sadd.s32 s3, s19;
	s29 =	spop (v2sf);
	s30 =	sadd.s32 s4, s28  }
0xa3: {  	[tilespmem:s7], [sflag:$0x2] =	stream.linear.gather [hbm4b:s18+s2], $0x80, $0x38;
	[tilespmem:$0x8200] =	vst v63  }
0xa4: {  	(v2sf) =	vpush v63, $0xB;
	s31 =	sand.u32 $0x1FFFFFF0, s29;
	s10 =	smov.u32 s5;
	s8 =	rddreg [dreg:$0xc]  }
0xa5: {  	[tilespmem:s6], [sflag:$0x1] =	stream.linear.gather [hbm4b:s26+s2], $0x80, $0x38;
	[tilespmem:$0x8200] =	vst v63  }
0xa6: {  	s5 =	sadd.s32 s3, s31;
	s31 =	rddreg [dreg:$0x8];
	s1 =	spop (v2sf)  }
0xa7: {  	(v2sf) =	vpush v1, $0xC;
	s26 =	rddreg [dreg:$0x6];
	s6 =	sand.u32 $0x1FFFFFF0, s1;
	s7 =	spop (v2sf)  }
0xa8: {  	[tilespmem:s12], [sflag:$0x2] =	stream.linear.gather [hbm4b:s30+s2], $0x80, $0x38;
	[tilespmem:$0x8200] =	vst v63  }
0xa9: {  	(v2sf) =	vpush v63, $0xC;
	s12 =	rddreg [dreg:$0x9];
	s11 =	sand.u32 $0x1FFFFFF0, s7;
	s14 =	spop (v2sf)  }
0xaa: {  	[tilespmem:s8], [sflag:$0x1] =	stream.linear.gather [hbm4b:s5+s2], $0x80, $0x38;
	[tilespmem:$0x8200] =	vst v63  }
0xab: {  	s9 =	sadd.s32 s4, s6;
	s18 =	sadd.s32 s3, s11;
	s19 =	sand.u32 $0x1FFFFFF0, s14  }
0xac: {  	[tilespmem:s15], [sflag:$0x2] =	stream.linear.gather [hbm4b:s9+s2], $0x80, $0x38;
	[tilespmem:$0x8200] =	vst v63  }
0xad: {  	s11 =	rddreg [dreg:$0x7];
	s20 =	spop (v2sf);
	s28 =	sadd.s32 s4, s19  }
0xae: {  	[tilespmem:s26], [sflag:$0x1] =	stream.linear.gather [hbm4b:s18+s2], $0x80, $0x38;
	[tilespmem:$0x8200] =	vst v63  }
0xaf: {  	s19 =	rddreg [dreg:$0x4];
	s29 =	sand.u32 $0x1FFFFFF0, s20;
	s30 =	spop (v2sf)  }
0xb0: {  	[tilespmem:s31], [sflag:$0x2] =	stream.linear.gather [hbm4b:s28+s2], $0x80, $0x38;
	[tilespmem:$0x8200] =	vst v63  }
0xb1: {  	s7 =	sadd.s32 s3, s29;
	s8 =	sand.u32 $0x1FFFFFF0, s30;
	s9 =	spop (v2sf)  }
0xb2: {  	[tilespmem:s11], [sflag:$0x1] =	stream.linear.gather [hbm4b:s7+s2], $0x80, $0x38;
	[tilespmem:$0x8200] =	vst v63  }
0xb3: {  	s29 =	rddreg [dreg:$0xa];
	s14 =	sadd.s32 s4, s8;
	s18 =	spop (v2sf)  }
0xb4: {  	(v2sf) =	vpush v1, $0xD;
	[tilespmem:s19], [sflag:$0x2] =	stream.linear.gather [hbm4b:s14+s2], $0x80, $0x38;
	[tilespmem:$0x8200] =	vst v63  }
.Ltmp0:
0xb5: {  	(v2sf) =	vpush v63, $0xD;
	s15 =	sand.u32 $0x1FFFFFF0, s9;
	s26 =	sand.u32 $0x1FFFFFF0, s18;
	(pc) =	sbr.rel @p0 .LBB2_2-.Ltmp0, $4  }
0xb6: {  	(v2sf) =	vpush v1, $0xE;
	s20 =	sadd.s32 s3, s15;
	s28 =	spop (v2sf);
	s30 =	sadd.s32 s4, s26  }
0xb7: {  	(v2sf) =	vpush v63, $0xE;
	[tilespmem:s29], [sflag:$0x1] =	stream.linear.gather [hbm4b:s20+s2], $0x80, $0x38;
	[tilespmem:$0x8200] =	vst v63  }
0xb8: {  	(v2sf) =	vpush v1, $0xF;
	s31 =	rddreg [dreg:$0x5];
	s0 =	sand.u32 $0x1FFFFFF0, s28;
	s1 =	spop (v2sf)  }
0xb9: {  	(v2sf) =	vpush v63, $0xF;
	[tilespmem:s31], [sflag:$0x2] =	stream.linear.gather [hbm4b:s30+s2], $0x80, $0x38;
	[tilespmem:$0x8200] =	vst v63  }
0xba: {  	_ =	sdelay $0x4  }
0xbb: {  	s0 =	sadd.s32 s3, s0;
	s1 =	sand.u32 $0x1FFFFFF0, s1  }
0xbc: {  	[tilespmem:s25], [sflag:$0x1] =	stream.linear.gather [hbm4b:s0+s2], $0x80, $0x38;
	[tilespmem:$0x8200] =	vst v63  }
0xbd: {  	s29 =	sadd.s32 s4, s1  }
0xbe: {  	[tilespmem:s12], [sflag:$0x2] =	stream.linear.gather [hbm4b:s29+s2], $0x80, $0x38;
	[tilespmem:$0x8200] =	vst v63  }
0xbf: {  	s5 =	spop (v2sf)  }
0xc0: {  	s30 =	sand.u32 $0x1FFFFFF0, s5;
	s31 =	spop (v2sf)  }
0xc1: {  	s6 =	sadd.s32 s3, s30;
	s7 =	sand.u32 $0x1FFFFFF0, s31;
	s8 =	spop (v2sf)  }
0xc2: {  	[tilespmem:s13], [sflag:$0x1] =	stream.linear.gather [hbm4b:s6+s2], $0x80, $0x38;
	[tilespmem:$0x8200] =	vst v63  }
0xc3: {  	s9 =	sadd.s32 s4, s7;
	s11 =	sand.u32 $0x1FFFFFF0, s8;
	s12 =	spop (v2sf)  }
0xc4: {  	[tilespmem:s10], [sflag:$0x2] =	stream.linear.gather [hbm4b:s9+s2], $0x80, $0x38;
	[tilespmem:$0x8200] =	vst v63  }
0xc5: {  	s13 =	sadd.s32 s3, s11;
	s14 =	sand.u32 $0x1FFFFFF0, s12;
	s15 =	spop (v2sf)  }
0xc6: {  	[tilespmem:s24], [sflag:$0x1] =	stream.linear.gather [hbm4b:s13+s2], $0x80, $0x38;
	[tilespmem:$0x8200] =	vst v63  }
0xc7: {  	s17 =	sadd.s32 s4, s14;
	s18 =	sand.u32 $0x1FFFFFF0, s15;
	s19 =	spop (v2sf)  }
0xc8: {  	[tilespmem:s23], [sflag:$0x2] =	stream.linear.gather [hbm4b:s17+s2], $0x80, $0x38;
	[tilespmem:$0x8200] =	vst v63  }
0xc9: {  	s20 =	sadd.s32 $0x980, s16;
	s1 =	sadd.s32 s3, s18;
	s5 =	sand.u32 $0x1FFFFFF0, s19  }
0xca: {  	[tilespmem:s20], [sflag:$0x1] =	stream.linear.gather [hbm4b:s1+s2], $0x80, $0x38;
	[tilespmem:$0x8200] =	vst v63  }
0xcb: {  	s21 =	sadd.s32 $0x4980, s16;
	s22 =	sadd.s32 s4, s5;
	s23 =	simm.s32 $0x1  }
0xcc: {  	[tilespmem:s21], [sflag:$0x2] =	stream.linear.gather [hbm4b:s22+s2], $0x80, $0x38;
	[tilespmem:$0x8200] =	vst v63  }
0xcd: {  	_ =	swait.ge [sflag:s23], $0x4000  }
0xce: {  	s25 =	simm.s32 $0x200;
	[sflag:s23] =	ssyncset.done $0x0  }
0xcf: {  	s5 =	simm.s32 $0x3;
	s24 =	rddreg [dreg:$0xf];
	[sflag:s23] =	ssyncadd.s32 $0xFFFFC000  }
0xd0: {  	[hbm4b:s24+s2] =	stream.linear.scatter [tilespmem:s25], [sflag:$0x3], $0x4000, $0x38;
	[tilespmem:$0x8200] =	vst v63  }
0xd1: {  	_ =	swait.ge [sflag:s5], $0x4000  }
0xd2: {  	[sflag:s5] =	ssyncset.done $0x0  }
0xd3: {  	s26 =	simm.s32 $0x2;
	[sflag:s5] =	ssyncadd.s32 $0xFFFFC000  }
0xd4: {  	_ =	swait.ge [sflag:s26], $0x4000  }
0xd5: {  	[sflag:s26] =	ssyncset.done $0x0  }
0xd6: {  	s29 =	simm.s32 $0x4200;
	s28 =	rddreg [dreg:$0x10];
	[sflag:s26] =	ssyncadd.s32 $0xFFFFC000  }
0xd7: {  	[hbm4b:s28+s2] =	stream.linear.scatter [tilespmem:s29], [sflag:$0x3], $0x4000, $0x38;
	[tilespmem:$0x8200] =	vst v63  }
0xd8: {  	_ =	swait.ge [sflag:s5], $0x4000  }
0xd9: {  	s30 =	rddreg [dreg:$0x12]  }
0xda: {  	s31 =	rddreg [dreg:$0x11];
	s1 =	sadd.s32 $0x1, s30  }
0xdb: {  	p0 =	sne.s32 s1, s31  }
.Ltmp1:
0xdc: {  	_ = 	snop;
	(pc) =	sbr.rel @p0 .LBB2_1-.Ltmp1, $3  }
0xdd: {  	_ =	sdelay $0x1  }
0xde: {  	[sflag:s5] =	ssyncset.done $0x0  }
0xdf: {  	[sflag:s5] =	ssyncadd.s32 $0xFFFFC000  }
0xe0: {  	_ =	sfence.sel $0x180000  }
0xe1: {  	[bflag:$0x0] =	sbarrier.arrive $0xFFFF  }
0xe2: {  	_ =	strace $0x90000047  }
0xe3: {  	s0 =	stileid.u32;
	[bflag:$0x2] =	sbarrier.arrive $0xFFFF  }
0xe4: {  	p0 =	sne.s32 s0, $0x0;
	s0 =	rddreg [dreg:$0x3]  }
0xe5: {  	s0 =	sadd.s32 @!p0 $0x100000, s0  }
0xe6: {  	[sflag:s0] =	ssyncadd.tile.s32 @!p0 $0x1;
	_ =	shalt  }
.Lfunc_end2:
_tile_overlayer_lowered:
.L_overlay_start_2:
0xe7: {  	(tag) =	ssettag $0x2  }
0xe8: {  	s0 =	rddreg [dreg:$0x0];
	s2 =	stileid.u32  }
0xe9: {  	s1 =	rddreg [dreg:$0x1];
	p0 =	sne.s32 s2, $0x0  }
0xea: {  	s3 =	rddreg [dreg:$0x2];
	[bflag:$0x3] =	sbarrier.arrive $0xFFFF;
	s2 =	simm.s32 @!p0 $0x1C03  }
0xeb: {  	[timem:s3], [sflag:s2] =	dma.local @!p0 [hbm:s0], s1  }
0xec: {  	s0 =	simm.s32 @!p0 $0x3  }
0xed: {  	_ =	swait.ge @!p0 [sflag:s0], s1  }
0xee: {  	s1 =	ssub.s32 @!p0 $0x0, s1;
	[sflag:s0] =	ssyncset.done @!p0 $0x0  }
0xef: {  	[sflag:s0] =	ssyncadd.s32 @!p0 s1  }
0xf0: {  	[bflag:$0x3] =	sbarrier.arrive $0xFFFF  }
0xf1: {  	_ =	shalt  }

</sc_bundles>
